<compile_context>
chip_gen: v7x
topology: tpu7x:2x2x1
jax: 0.10.2.dev20260603
libtpu: 0.0.44.dev20260713+nightly
codegen_flags: <defaults>
</compile_context>

<pallas_src>
import functools

import jax
import jax.numpy as jnp
from jax import lax
from jax.experimental import pallas as pl
from jax.experimental.pallas import tpu as pltpu
from jax.experimental.pallas import tpu_sc as plsc

_TOTAL = 32768


@functools.lru_cache(maxsize=None)
def _make_sc_fill(total: int):
    info = plsc.get_sparse_core_info()
    num_subcores, lanes = info.num_subcores, info.num_lanes
    num_cores = 1
    num_workers = num_cores * num_subcores
    per_worker = total // num_workers

    mesh = plsc.VectorSubcoreMesh(
        core_axis_name="c", subcore_axis_name="s", num_cores=num_cores
    )

    @functools.partial(
        pl.kernel,
        mesh=mesh,
        out_type=jax.ShapeDtypeStruct((total,), jnp.float32),
        scratch_types=[
            pltpu.VMEM((lanes,), jnp.float32),
            pltpu.VMEM((per_worker,), jnp.float32),
        ],
    )
    def fill(param_hbm, out_hbm, param_v, buf_v):
        wid = lax.axis_index("s") * num_cores + lax.axis_index("c")
        pltpu.sync_copy(param_hbm, param_v.at[pl.ds(0, 1)])
        raw = param_v[...]
        vec = lax.gather(
            raw,
            jnp.zeros((lanes, 1), jnp.int32),
            lax.GatherDimensionNumbers(
                offset_dims=(),
                collapsed_slice_dims=(0,),
                start_index_map=(0,),
            ),
            slice_sizes=(1,),
            mode=lax.GatherScatterMode.PROMISE_IN_BOUNDS,
        )
        for i in range(per_worker // lanes):
            buf_v[pl.ds(i * lanes, lanes)] = vec
        pltpu.sync_copy(buf_v, out_hbm.at[pl.ds(wid * per_worker, per_worker)])

    return fill


def kernel(repeats, parameter):
    out = _make_sc_fill(_TOTAL)(jnp.reshape(parameter, (1,)))
    return jnp.reshape(out, (_TOTAL, 1))

# --- scband reference (transcript-rebuilt; emitter-appended) ---
"""Pipeline reference for scband-generator-43396349558794 (READ-ONLY COPY).

The authoritative reference and input builder live on the scoring server;
editing this copy changes nothing except your own understanding.
"""

import jax, jax.numpy as jnp
import numpy as np


def setup_inputs(seed: int = 0) -> dict:
    key = jax.random.key(seed)
    # Non-tensor scalar repeat count (harness treats shape=[] int as python int)
    repeats = 32768
    # Learned parameter from __init__: nn.Parameter(torch.ones(1, 1))
    parameter = jnp.ones((1, 1), dtype=jnp.float32)
    return {"repeats": repeats, "parameter": parameter}


def reference(repeats, parameter):
    # torch.repeat_interleave(self.parameter, repeats=repeats, dim=0)
    # parameter has dim-0 size 1, so this expands it to [repeats, 1]
    return jnp.repeat(parameter, repeats, axis=0, total_repeat_length=32768)

if __name__ == "__main__":
    import jax
    _d = setup_inputs()
    print(jax.jit(kernel)(*tuple(_d.values())))

</pallas_src>

<mosaic_0001>
#map = affine_map<(d0, d1) -> (0)>
module attributes {stable_mosaic.version = 14 : i64} {
  func.func @fill(%arg0: i32, %arg1: i32, %arg2: memref<1xf32, #tpu.memory_space<hbm>>, %arg3: memref<32768xf32, #tpu.memory_space<hbm>>, %arg4: memref<16xf32, #tpu.memory_space<vmem>>, %arg5: memref<2048xf32, #tpu.memory_space<vmem>>) attributes {dimension_semantics = [#tpu.dimension_semantics<core_parallel>, #tpu.dimension_semantics<subcore_parallel>], iteration_bounds = array<i64: 1, 16>, scalar_prefetch = 0 : i64, scratch_operands = 2 : i64, tpu.core_type = #tpu.core_type<sc_vector_subcore>, window_params = [{transform_indices = #map}, {transform_indices = #map}]} {
    %mul3A = arith.constant 1 : i32
    %mul3A_0 = arith.muli %arg1, %mul3A : i32
    %add3A = arith.addi %mul3A_0, %arg0 : i32
    "tpu.region"() ({
      %run_scoped3A = tpu.sem_alloc : memref<!tpu.dma_semaphore, #tpu.memory_space<semaphore_mem>>
      %dma_start3A = arith.constant 0 : i32
      %dma_start3A_518 = tpu.memref_slice %arg4[%dma_start3A] : memref<16xf32, #tpu.memory_space<vmem>> -> memref<1xf32, #tpu.memory_space<vmem>>
      %dma_start3A_519 = arith.constant 0 : i32
      %dma_start3A_520 = tpu.memref_slice %arg4[%dma_start3A_519] : memref<16xf32, #tpu.memory_space<vmem>> -> memref<1xf32, #tpu.memory_space<vmem>>
      tpu.enqueue_dma source(%arg2 : memref<1xf32, #tpu.memory_space<hbm>>) target(%dma_start3A_520 : memref<1xf32, #tpu.memory_space<vmem>>) target_semaphore(%run_scoped3A : memref<!tpu.dma_semaphore, #tpu.memory_space<semaphore_mem>>)
      %dma_wait3A = arith.constant 0 : i32
      %dma_wait3A_521 = tpu.memref_slice %arg4[%dma_wait3A] : memref<16xf32, #tpu.memory_space<vmem>> -> memref<1xf32, #tpu.memory_space<vmem>>
      %dma_wait3A_522 = arith.constant 0 : i32
      %dma_wait3A_523 = tpu.memref_slice %arg4[%dma_wait3A_522] : memref<16xf32, #tpu.memory_space<vmem>> -> memref<1xf32, #tpu.memory_space<vmem>>
      tpu.wait_dma2 semaphore(%run_scoped3A : memref<!tpu.dma_semaphore, #tpu.memory_space<semaphore_mem>>) src(%arg2 : memref<1xf32, #tpu.memory_space<hbm>>) dst(%dma_wait3A_523 : memref<1xf32, #tpu.memory_space<vmem>>)
      tpu.yield
    }) : () -> ()
    %get3A = arith.constant 0 : index
    %get3A_1 = tpu.vector_load %arg4[%get3A] {strides = array<i32>} : memref<16xf32, #tpu.memory_space<vmem>>, vector<16xf32>,
    %get3A_2 = vector.shape_cast %get3A_1 : vector<16xf32> to vector<16xf32>
    %broadcast_in_dim3A = arith.constant 0 : i32
    %broadcast_in_dim3A_3 = vector.broadcast %broadcast_in_dim3A : i32 to vector<16x1xi32>
    %gather3A = vector.shape_cast %broadcast_in_dim3A_3 : vector<16x1xi32> to vector<16xi32>
    %gather3A_4 = tpu.dynamic_gather %get3A_2[%gather3A] in [0] : vector<16xf32>, vector<16xi32> -> vector<16xf32>
    %swap3A = arith.constant 0 : index
    %swap3A_5 = tpu.vector_load %arg5[%swap3A] {strides = array<i32>} : memref<2048xf32, #tpu.memory_space<vmem>>, vector<16xf32>,
    %swap3A_6 = vector.shape_cast %swap3A_5 : vector<16xf32> to vector<16xf32>
    %swap3A_7 = vector.shape_cast %gather3A_4 : vector<16xf32> to vector<16xf32>
    tpu.vector_store %arg5[%swap3A], %swap3A_7 {strides = array<i32>} : memref<2048xf32, #tpu.memory_space<vmem>>, vector<16xf32>,
    %swap3A_8 = arith.constant 16 : index
    %swap3A_9 = tpu.vector_load %arg5[%swap3A_8] {strides = array<i32>} : memref<2048xf32, #tpu.memory_space<vmem>>, vector<16xf32>,
    %swap3A_10 = vector.shape_cast %swap3A_9 : vector<16xf32> to vector<16xf32>
    %swap3A_11 = vector.shape_cast %gather3A_4 : vector<16xf32> to vector<16xf32>
    tpu.vector_store %arg5[%swap3A_8], %swap3A_11 {strides = array<i32>} : memref<2048xf32, #tpu.memory_space<vmem>>, vector<16xf32>,
    %swap3A_12 = arith.constant 32 : index
    %swap3A_13 = tpu.vector_load %arg5[%swap3A_12] {strides = array<i32>} : memref<2048xf32, #tpu.memory_space<vmem>>, vector<16xf32>,
    %swap3A_14 = vector.shape_cast %swap3A_13 : vector<16xf32> to vector<16xf32>
    %swap3A_15 = vector.shape_cast %gather3A_4 : vector<16xf32> to vector<16xf32>
    tpu.vector_store %arg5[%swap3A_12], %swap3A_15 {strides = array<i32>} : memref<2048xf32, #tpu.memory_space<vmem>>, vector<16xf32>,
    %swap3A_16 = arith.constant 48 : index
    %swap3A_17 = tpu.vector_load %arg5[%swap3A_16] {strides = array<i32>} : memref<2048xf32, #tpu.memory_space<vmem>>, vector<16xf32>,
    %swap3A_18 = vector.shape_cast %swap3A_17 : vector<16xf32> to vector<16xf32>
    %swap3A_19 = vector.shape_cast %gather3A_4 : vector<16xf32> to vector<16xf32>
    tpu.vector_store %arg5[%swap3A_16], %swap3A_19 {strides = array<i32>} : memref<2048xf32, #tpu.memory_space<vmem>>, vector<16xf32>,
    %swap3A_20 = arith.constant 64 : index
    %swap3A_21 = tpu.vector_load %arg5[%swap3A_20] {strides = array<i32>} : memref<2048xf32, #tpu.memory_space<vmem>>, vector<16xf32>,
    %swap3A_22 = vector.shape_cast %swap3A_21 : vector<16xf32> to vector<16xf32>
    %swap3A_23 = vector.shape_cast %gather3A_4 : vector<16xf32> to vector<16xf32>
    tpu.vector_store %arg5[%swap3A_20], %swap3A_23 {strides = array<i32>} : memref<2048xf32, #tpu.memory_space<vmem>>, vector<16xf32>,
    %swap3A_24 = arith.constant 80 : index
    %swap3A_25 = tpu.vector_load %arg5[%swap3A_24] {strides = array<i32>} : memref<2048xf32, #tpu.memory_space<vmem>>, vector<16xf32>,
    %swap3A_26 = vector.shape_cast %swap3A_25 : vector<16xf32> to vector<16xf32>
    %swap3A_27 = vector.shape_cast %gather3A_4 : vector<16xf32> to vector<16xf32>
    tpu.vector_store %arg5[%swap3A_24], %swap3A_27 {strides = array<i32>} : memref<2048xf32, #tpu.memory_space<vmem>>, vector<16xf32>,
    %swap3A_28 = arith.constant 96 : index
    %swap3A_29 = tpu.vector_load %arg5[%swap3A_28] {strides = array<i32>} : memref<2048xf32, #tpu.memory_space<vmem>>, vector<16xf32>,
    %swap3A_30 = vector.shape_cast %swap3A_29 : vector<16xf32> to vector<16xf32>
    %swap3A_31 = vector.shape_cast %gather3A_4 : vector<16xf32> to vector<16xf32>
    tpu.vector_store %arg5[%swap3A_28], %swap3A_31 {strides = array<i32>} : memref<2048xf32, #tpu.memory_space<vmem>>, vector<16xf32>,
    %swap3A_32 = arith.constant 112 : index
    %swap3A_33 = tpu.vector_load %arg5[%swap3A_32] {strides = array<i32>} : memref<2048xf32, #tpu.memory_space<vmem>>, vector<16xf32>,
    %swap3A_34 = vector.shape_cast %swap3A_33 : vector<16xf32> to vector<16xf32>
    %swap3A_35 = vector.shape_cast %gather3A_4 : vector<16xf32> to vector<16xf32>
    tpu.vector_store %arg5[%swap3A_32], %swap3A_35 {strides = array<i32>} : memref<2048xf32, #tpu.memory_space<vmem>>, vector<16xf32>,
    %swap3A_36 = arith.constant 128 : index
    %swap3A_37 = tpu.vector_load %arg5[%swap3A_36] {strides = array<i32>} : memref<2048xf32, #tpu.memory_space<vmem>>, vector<16xf32>,
    %swap3A_38 = vector.shape_cast %swap3A_37 : vector<16xf32> to vector<16xf32>
    %swap3A_39 = vector.shape_cast %gather3A_4 : vector<16xf32> to vector<16xf32>
    tpu.vector_store %arg5[%swap3A_36], %swap3A_39 {strides = array<i32>} : memref<2048xf32, #tpu.memory_space<vmem>>, vector<16xf32>,
    %swap3A_40 = arith.constant 144 : index
    %swap3A_41 = tpu.vector_load %arg5[%swap3A_40] {strides = array<i32>} : memref<2048xf32, #tpu.memory_space<vmem>>, vector<16xf32>,
    %swap3A_42 = vector.shape_cast %swap3A_41 : vector<16xf32> to vector<16xf32>
    %swap3A_43 = vector.shape_cast %gather3A_4 : vector<16xf32> to vector<16xf32>
    tpu.vector_store %arg5[%swap3A_40], %swap3A_43 {strides = array<i32>} : memref<2048xf32, #tpu.memory_space<vmem>>, vector<16xf32>,
    %swap3A_44 = arith.constant 160 : index
    %swap3A_45 = tpu.vector_load %arg5[%swap3A_44] {strides = array<i32>} : memref<2048xf32, #tpu.memory_space<vmem>>, vector<16xf32>,
    %swap3A_46 = vector.shape_cast %swap3A_45 : vector<16xf32> to vector<16xf32>
    %swap3A_47 = vector.shape_cast %gather3A_4 : vector<16xf32> to vector<16xf32>
    tpu.vector_store %arg5[%swap3A_44], %swap3A_47 {strides = array<i32>} : memref<2048xf32, #tpu.memory_space<vmem>>, vector<16xf32>,
    %swap3A_48 = arith.constant 176 : index
    %swap3A_49 = tpu.vector_load %arg5[%swap3A_48] {strides = array<i32>} : memref<2048xf32, #tpu.memory_space<vmem>>, vector<16xf32>,
    %swap3A_50 = vector.shape_cast %swap3A_49 : vector<16xf32> to vector<16xf32>
    %swap3A_51 = vector.shape_cast %gather3A_4 : vector<16xf32> to vector<16xf32>
    tpu.vector_store %arg5[%swap3A_48], %swap3A_51 {strides = array<i32>} : memref<2048xf32, #tpu.memory_space<vmem>>, vector<16xf32>,
    %swap3A_52 = arith.constant 192 : index
    %swap3A_53 = tpu.vector_load %arg5[%swap3A_52] {strides = array<i32>} : memref<2048xf32, #tpu.memory_space<vmem>>, vector<16xf32>,
    %swap3A_54 = vector.shape_cast %swap3A_53 : vector<16xf32> to vector<16xf32>
    %swap3A_55 = vector.shape_cast %gather3A_4 : vector<16xf32> to vector<16xf32>
    tpu.vector_store %arg5[%swap3A_52], %swap3A_55 {strides = array<i32>} : memref<2048xf32, #tpu.memory_space<vmem>>, vector<16xf32>,
    %swap3A_56 = arith.constant 208 : index
    %swap3A_57 = tpu.vector_load %arg5[%swap3A_56] {strides = array<i32>} : memref<2048xf32, #tpu.memory_space<vmem>>, vector<16xf32>,
    %swap3A_58 = vector.shape_cast %swap3A_57 : vector<16xf32> to vector<16xf32>
    %swap3A_59 = vector.shape_cast %gather3A_4 : vector<16xf32> to vector<16xf32>
    tpu.vector_store %arg5[%swap3A_56], %swap3A_59 {strides = array<i32>} : memref<2048xf32, #tpu.memory_space<vmem>>, vector<16xf32>,
    %swap3A_60 = arith.constant 224 : index
    %swap3A_61 = tpu.vector_load %arg5[%swap3A_60] {strides = array<i32>} : memref<2048xf32, #tpu.memory_space<vmem>>, vector<16xf32>,
    %swap3A_62 = vector.shape_cast %swap3A_61 : vector<16xf32> to vector<16xf32>
    %swap3A_63 = vector.shape_cast %gather3A_4 : vector<16xf32> to vector<16xf32>
    tpu.vector_store %arg5[%swap3A_60], %swap3A_63 {strides = array<i32>} : memref<2048xf32, #tpu.memory_space<vmem>>, vector<16xf32>,
    %swap3A_64 = arith.constant 240 : index
    %swap3A_65 = tpu.vector_load %arg5[%swap3A_64] {strides = array<i32>} : memref<2048xf32, #tpu.memory_space<vmem>>, vector<16xf32>,
    %swap3A_66 = vector.shape_cast %swap3A_65 : vector<16xf32> to vector<16xf32>
    %swap3A_67 = vector.shape_cast %gather3A_4 : vector<16xf32> to vector<16xf32>
    tpu.vector_store %arg5[%swap3A_64], %swap3A_67 {strides = array<i32>} : memref<2048xf32, #tpu.memory_space<vmem>>, vector<16xf32>,
    %swap3A_68 = arith.constant 256 : index
    %swap3A_69 = tpu.vector_load %arg5[%swap3A_68] {strides = array<i32>} : memref<2048xf32, #tpu.memory_space<vmem>>, vector<16xf32>,
    %swap3A_70 = vector.shape_cast %swap3A_69 : vector<16xf32> to vector<16xf32>
    %swap3A_71 = vector.shape_cast %gather3A_4 : vector<16xf32> to vector<16xf32>
    tpu.vector_store %arg5[%swap3A_68], %swap3A_71 {strides = array<i32>} : memref<2048xf32, #tpu.memory_space<vmem>>, vector<16xf32>,
    %swap3A_72 = arith.constant 272 : index
    %swap3A_73 = tpu.vector_load %arg5[%swap3A_72] {strides = array<i32>} : memref<2048xf32, #tpu.memory_space<vmem>>, vector<16xf32>,
    %swap3A_74 = vector.shape_cast %swap3A_73 : vector<16xf32> to vector<16xf32>
    %swap3A_75 = vector.shape_cast %gather3A_4 : vector<16xf32> to vector<16xf32>
    tpu.vector_store %arg5[%swap3A_72], %swap3A_75 {strides = array<i32>} : memref<2048xf32, #tpu.memory_space<vmem>>, vector<16xf32>,
    %swap3A_76 = arith.constant 288 : index
    %swap3A_77 = tpu.vector_load %arg5[%swap3A_76] {strides = array<i32>} : memref<2048xf32, #tpu.memory_space<vmem>>, vector<16xf32>,
    %swap3A_78 = vector.shape_cast %swap3A_77 : vector<16xf32> to vector<16xf32>
    %swap3A_79 = vector.shape_cast %gather3A_4 : vector<16xf32> to vector<16xf32>
    tpu.vector_store %arg5[%swap3A_76], %swap3A_79 {strides = array<i32>} : memref<2048xf32, #tpu.memory_space<vmem>>, vector<16xf32>,
    %swap3A_80 = arith.constant 304 : index
    %swap3A_81 = tpu.vector_load %arg5[%swap3A_80] {strides = array<i32>} : memref<2048xf32, #tpu.memory_space<vmem>>, vector<16xf32>,
    %swap3A_82 = vector.shape_cast %swap3A_81 : vector<16xf32> to vector<16xf32>
    %swap3A_83 = vector.shape_cast %gather3A_4 : vector<16xf32> to vector<16xf32>
    tpu.vector_store %arg5[%swap3A_80], %swap3A_83 {strides = array<i32>} : memref<2048xf32, #tpu.memory_space<vmem>>, vector<16xf32>,
    %swap3A_84 = arith.constant 320 : index
    %swap3A_85 = tpu.vector_load %arg5[%swap3A_84] {strides = array<i32>} : memref<2048xf32, #tpu.memory_space<vmem>>, vector<16xf32>,
    %swap3A_86 = vector.shape_cast %swap3A_85 : vector<16xf32> to vector<16xf32>
    %swap3A_87 = vector.shape_cast %gather3A_4 : vector<16xf32> to vector<16xf32>
    tpu.vector_store %arg5[%swap3A_84], %swap3A_87 {strides = array<i32>} : memref<2048xf32, #tpu.memory_space<vmem>>, vector<16xf32>,
    %swap3A_88 = arith.constant 336 : index
    %swap3A_89 = tpu.vector_load %arg5[%swap3A_88] {strides = array<i32>} : memref<2048xf32, #tpu.memory_space<vmem>>, vector<16xf32>,
    %swap3A_90 = vector.shape_cast %swap3A_89 : vector<16xf32> to vector<16xf32>
    %swap3A_91 = vector.shape_cast %gather3A_4 : vector<16xf32> to vector<16xf32>
    tpu.vector_store %arg5[%swap3A_88], %swap3A_91 {strides = array<i32>} : memref<2048xf32, #tpu.memory_space<vmem>>, vector<16xf32>,
    %swap3A_92 = arith.constant 352 : index
    %swap3A_93 = tpu.vector_load %arg5[%swap3A_92] {strides = array<i32>} : memref<2048xf32, #tpu.memory_space<vmem>>, vector<16xf32>,
    %swap3A_94 = vector.shape_cast %swap3A_93 : vector<16xf32> to vector<16xf32>
    %swap3A_95 = vector.shape_cast %gather3A_4 : vector<16xf32> to vector<16xf32>
    tpu.vector_store %arg5[%swap3A_92], %swap3A_95 {strides = array<i32>} : memref<2048xf32, #tpu.memory_space<vmem>>, vector<16xf32>,
    %swap3A_96 = arith.constant 368 : index
    %swap3A_97 = tpu.vector_load %arg5[%swap3A_96] {strides = array<i32>} : memref<2048xf32, #tpu.memory_space<vmem>>, vector<16xf32>,
    %swap3A_98 = vector.shape_cast %swap3A_97 : vector<16xf32> to vector<16xf32>
    %swap3A_99 = vector.shape_cast %gather3A_4 : vector<16xf32> to vector<16xf32>
    tpu.vector_store %arg5[%swap3A_96], %swap3A_99 {strides = array<i32>} : memref<2048xf32, #tpu.memory_space<vmem>>, vector<16xf32>,
    %swap3A_100 = arith.constant 384 : index
    %swap3A_101 = tpu.vector_load %arg5[%swap3A_100] {strides = array<i32>} : memref<2048xf32, #tpu.memory_space<vmem>>, vector<16xf32>,
    %swap3A_102 = vector.shape_cast %swap3A_101 : vector<16xf32> to vector<16xf32>
    %swap3A_103 = vector.shape_cast %gather3A_4 : vector<16xf32> to vector<16xf32>
    tpu.vector_store %arg5[%swap3A_100], %swap3A_103 {strides = array<i32>} : memref<2048xf32, #tpu.memory_space<vmem>>, vector<16xf32>,
    %swap3A_104 = arith.constant 400 : index
    %swap3A_105 = tpu.vector_load %arg5[%swap3A_104] {strides = array<i32>} : memref<2048xf32, #tpu.memory_space<vmem>>, vector<16xf32>,
    %swap3A_106 = vector.shape_cast %swap3A_105 : vector<16xf32> to vector<16xf32>
    %swap3A_107 = vector.shape_cast %gather3A_4 : vector<16xf32> to vector<16xf32>
    tpu.vector_store %arg5[%swap3A_104], %swap3A_107 {strides = array<i32>} : memref<2048xf32, #tpu.memory_space<vmem>>, vector<16xf32>,
    %swap3A_108 = arith.constant 416 : index
    %swap3A_109 = tpu.vector_load %arg5[%swap3A_108] {strides = array<i32>} : memref<2048xf32, #tpu.memory_space<vmem>>, vector<16xf32>,
    %swap3A_110 = vector.shape_cast %swap3A_109 : vector<16xf32> to vector<16xf32>
    %swap3A_111 = vector.shape_cast %gather3A_4 : vector<16xf32> to vector<16xf32>
    tpu.vector_store %arg5[%swap3A_108], %swap3A_111 {strides = array<i32>} : memref<2048xf32, #tpu.memory_space<vmem>>, vector<16xf32>,
    %swap3A_112 = arith.constant 432 : index
    %swap3A_113 = tpu.vector_load %arg5[%swap3A_112] {strides = array<i32>} : memref<2048xf32, #tpu.memory_space<vmem>>, vector<16xf32>,
    %swap3A_114 = vector.shape_cast %swap3A_113 : vector<16xf32> to vector<16xf32>
    %swap3A_115 = vector.shape_cast %gather3A_4 : vector<16xf32> to vector<16xf32>
    tpu.vector_store %arg5[%swap3A_112], %swap3A_115 {strides = array<i32>} : memref<2048xf32, #tpu.memory_space<vmem>>, vector<16xf32>,
    %swap3A_116 = arith.constant 448 : index
    %swap3A_117 = tpu.vector_load %arg5[%swap3A_116] {strides = array<i32>} : memref<2048xf32, #tpu.memory_space<vmem>>, vector<16xf32>,
    %swap3A_118 = vector.shape_cast %swap3A_117 : vector<16xf32> to vector<16xf32>
    %swap3A_119 = vector.shape_cast %gather3A_4 : vector<16xf32> to vector<16xf32>
    tpu.vector_store %arg5[%swap3A_116], %swap3A_119 {strides = array<i32>} : memref<2048xf32, #tpu.memory_space<vmem>>, vector<16xf32>,
    %swap3A_120 = arith.constant 464 : index
    %swap3A_121 = tpu.vector_load %arg5[%swap3A_120] {strides = array<i32>} : memref<2048xf32, #tpu.memory_space<vmem>>, vector<16xf32>,
    %swap3A_122 = vector.shape_cast %swap3A_121 : vector<16xf32> to vector<16xf32>
    %swap3A_123 = vector.shape_cast %gather3A_4 : vector<16xf32> to vector<16xf32>
    tpu.vector_store %arg5[%swap3A_120], %swap3A_123 {strides = array<i32>} : memref<2048xf32, #tpu.memory_space<vmem>>, vector<16xf32>,
    %swap3A_124 = arith.constant 480 : index
    %swap3A_125 = tpu.vector_load %arg5[%swap3A_124] {strides = array<i32>} : memref<2048xf32, #tpu.memory_space<vmem>>, vector<16xf32>,
    %swap3A_126 = vector.shape_cast %swap3A_125 : vector<16xf32> to vector<16xf32>
    %swap3A_127 = vector.shape_cast %gather3A_4 : vector<16xf32> to vector<16xf32>
    tpu.vector_store %arg5[%swap3A_124], %swap3A_127 {strides = array<i32>} : memref<2048xf32, #tpu.memory_space<vmem>>, vector<16xf32>,
    %swap3A_128 = arith.constant 496 : index
    %swap3A_129 = tpu.vector_load %arg5[%swap3A_128] {strides = array<i32>} : memref<2048xf32, #tpu.memory_space<vmem>>, vector<16xf32>,
    %swap3A_130 = vector.shape_cast %swap3A_129 : vector<16xf32> to vector<16xf32>
    %swap3A_131 = vector.shape_cast %gather3A_4 : vector<16xf32> to vector<16xf32>
    tpu.vector_store %arg5[%swap3A_128], %swap3A_131 {strides = array<i32>} : memref<2048xf32, #tpu.memory_space<vmem>>, vector<16xf32>,
    %swap3A_132 = arith.constant 512 : index
    %swap3A_133 = tpu.vector_load %arg5[%swap3A_132] {strides = array<i32>} : memref<2048xf32, #tpu.memory_space<vmem>>, vector<16xf32>,
    %swap3A_134 = vector.shape_cast %swap3A_133 : vector<16xf32> to vector<16xf32>
    %swap3A_135 = vector.shape_cast %gather3A_4 : vector<16xf32> to vector<16xf32>
    tpu.vector_store %arg5[%swap3A_132], %swap3A_135 {strides = array<i32>} : memref<2048xf32, #tpu.memory_space<vmem>>, vector<16xf32>,
    %swap3A_136 = arith.constant 528 : index
    %swap3A_137 = tpu.vector_load %arg5[%swap3A_136] {strides = array<i32>} : memref<2048xf32, #tpu.memory_space<vmem>>, vector<16xf32>,
    %swap3A_138 = vector.shape_cast %swap3A_137 : vector<16xf32> to vector<16xf32>
    %swap3A_139 = vector.shape_cast %gather3A_4 : vector<16xf32> to vector<16xf32>
    tpu.vector_store %arg5[%swap3A_136], %swap3A_139 {strides = array<i32>} : memref<2048xf32, #tpu.memory_space<vmem>>, vector<16xf32>,
    %swap3A_140 = arith.constant 544 : index
    %swap3A_141 = tpu.vector_load %arg5[%swap3A_140] {strides = array<i32>} : memref<2048xf32, #tpu.memory_space<vmem>>, vector<16xf32>,
    %swap3A_142 = vector.shape_cast %swap3A_141 : vector<16xf32> to vector<16xf32>
    %swap3A_143 = vector.shape_cast %gather3A_4 : vector<16xf32> to vector<16xf32>
    tpu.vector_store %arg5[%swap3A_140], %swap3A_143 {strides = array<i32>} : memref<2048xf32, #tpu.memory_space<vmem>>, vector<16xf32>,
    %swap3A_144 = arith.constant 560 : index
    %swap3A_145 = tpu.vector_load %arg5[%swap3A_144] {strides = array<i32>} : memref<2048xf32, #tpu.memory_space<vmem>>, vector<16xf32>,
    %swap3A_146 = vector.shape_cast %swap3A_145 : vector<16xf32> to vector<16xf32>
    %swap3A_147 = vector.shape_cast %gather3A_4 : vector<16xf32> to vector<16xf32>
    tpu.vector_store %arg5[%swap3A_144], %swap3A_147 {strides = array<i32>} : memref<2048xf32, #tpu.memory_space<vmem>>, vector<16xf32>,
    %swap3A_148 = arith.constant 576 : index
    %swap3A_149 = tpu.vector_load %arg5[%swap3A_148] {strides = array<i32>} : memref<2048xf32, #tpu.memory_space<vmem>>, vector<16xf32>,
    %swap3A_150 = vector.shape_cast %swap3A_149 : vector<16xf32> to vector<16xf32>
    %swap3A_151 = vector.shape_cast %gather3A_4 : vector<16xf32> to vector<16xf32>
    tpu.vector_store %arg5[%swap3A_148], %swap3A_151 {strides = array<i32>} : memref<2048xf32, #tpu.memory_space<vmem>>, vector<16xf32>,
    %swap3A_152 = arith.constant 592 : index
    %swap3A_153 = tpu.vector_load %arg5[%swap3A_152] {strides = array<i32>} : memref<2048xf32, #tpu.memory_space<vmem>>, vector<16xf32>,
    %swap3A_154 = vector.shape_cast %swap3A_153 : vector<16xf32> to vector<16xf32>
    %swap3A_155 = vector.shape_cast %gather3A_4 : vector<16xf32> to vector<16xf32>
    tpu.vector_store %arg5[%swap3A_152], %swap3A_155 {strides = array<i32>} : memref<2048xf32, #tpu.memory_space<vmem>>, vector<16xf32>,
    %swap3A_156 = arith.constant 608 : index
    %swap3A_157 = tpu.vector_load %arg5[%swap3A_156] {strides = array<i32>} : memref<2048xf32, #tpu.memory_space<vmem>>, vector<16xf32>,
    %swap3A_158 = vector.shape_cast %swap3A_157 : vector<16xf32> to vector<16xf32>
    %swap3A_159 = vector.shape_cast %gather3A_4 : vector<16xf32> to vector<16xf32>
    tpu.vector_store %arg5[%swap3A_156], %swap3A_159 {strides = array<i32>} : memref<2048xf32, #tpu.memory_space<vmem>>, vector<16xf32>,
    %swap3A_160 = arith.constant 624 : index
    %swap3A_161 = tpu.vector_load %arg5[%swap3A_160] {strides = array<i32>} : memref<2048xf32, #tpu.memory_space<vmem>>, vector<16xf32>,
    %swap3A_162 = vector.shape_cast %swap3A_161 : vector<16xf32> to vector<16xf32>
    %swap3A_163 = vector.shape_cast %gather3A_4 : vector<16xf32> to vector<16xf32>
    tpu.vector_store %arg5[%swap3A_160], %swap3A_163 {strides = array<i32>} : memref<2048xf32, #tpu.memory_space<vmem>>, vector<16xf32>,
    %swap3A_164 = arith.constant 640 : index
    %swap3A_165 = tpu.vector_load %arg5[%swap3A_164] {strides = array<i32>} : memref<2048xf32, #tpu.memory_space<vmem>>, vector<16xf32>,
    %swap3A_166 = vector.shape_cast %swap3A_165 : vector<16xf32> to vector<16xf32>
    %swap3A_167 = vector.shape_cast %gather3A_4 : vector<16xf32> to vector<16xf32>
    tpu.vector_store %arg5[%swap3A_164], %swap3A_167 {strides = array<i32>} : memref<2048xf32, #tpu.memory_space<vmem>>, vector<16xf32>,
    %swap3A_168 = arith.constant 656 : index
    %swap3A_169 = tpu.vector_load %arg5[%swap3A_168] {strides = array<i32>} : memref<2048xf32, #tpu.memory_space<vmem>>, vector<16xf32>,
    %swap3A_170 = vector.shape_cast %swap3A_169 : vector<16xf32> to vector<16xf32>
    %swap3A_171 = vector.shape_cast %gather3A_4 : vector<16xf32> to vector<16xf32>
    tpu.vector_store %arg5[%swap3A_168], %swap3A_171 {strides = array<i32>} : memref<2048xf32, #tpu.memory_space<vmem>>, vector<16xf32>,
    %swap3A_172 = arith.constant 672 : index
    %swap3A_173 = tpu.vector_load %arg5[%swap3A_172] {strides = array<i32>} : memref<2048xf32, #tpu.memory_space<vmem>>, vector<16xf32>,
    %swap3A_174 = vector.shape_cast %swap3A_173 : vector<16xf32> to vector<16xf32>
    %swap3A_175 = vector.shape_cast %gather3A_4 : vector<16xf32> to vector<16xf32>
    tpu.vector_store %arg5[%swap3A_172], %swap3A_175 {strides = array<i32>} : memref<2048xf32, #tpu.memory_space<vmem>>, vector<16xf32>,
    %swap3A_176 = arith.constant 688 : index
    %swap3A_177 = tpu.vector_load %arg5[%swap3A_176] {strides = array<i32>} : memref<2048xf32, #tpu.memory_space<vmem>>, vector<16xf32>,
    %swap3A_178 = vector.shape_cast %swap3A_177 : vector<16xf32> to vector<16xf32>
    %swap3A_179 = vector.shape_cast %gather3A_4 : vector<16xf32> to vector<16xf32>
    tpu.vector_store %arg5[%swap3A_176], %swap3A_179 {strides = array<i32>} : memref<2048xf32, #tpu.memory_space<vmem>>, vector<16xf32>,
    %swap3A_180 = arith.constant 704 : index
    %swap3A_181 = tpu.vector_load %arg5[%swap3A_180] {strides = array<i32>} : memref<2048xf32, #tpu.memory_space<vmem>>, vector<16xf32>,
    %swap3A_182 = vector.shape_cast %swap3A_181 : vector<16xf32> to vector<16xf32>
    %swap3A_183 = vector.shape_cast %gather3A_4 : vector<16xf32> to vector<16xf32>
    tpu.vector_store %arg5[%swap3A_180], %swap3A_183 {strides = array<i32>} : memref<2048xf32, #tpu.memory_space<vmem>>, vector<16xf32>,
    %swap3A_184 = arith.constant 720 : index
    %swap3A_185 = tpu.vector_load %arg5[%swap3A_184] {strides = array<i32>} : memref<2048xf32, #tpu.memory_space<vmem>>, vector<16xf32>,
    %swap3A_186 = vector.shape_cast %swap3A_185 : vector<16xf32> to vector<16xf32>
    %swap3A_187 = vector.shape_cast %gather3A_4 : vector<16xf32> to vector<16xf32>
    tpu.vector_store %arg5[%swap3A_184], %swap3A_187 {strides = array<i32>} : memref<2048xf32, #tpu.memory_space<vmem>>, vector<16xf32>,
    %swap3A_188 = arith.constant 736 : index
    %swap3A_189 = tpu.vector_load %arg5[%swap3A_188] {strides = array<i32>} : memref<2048xf32, #tpu.memory_space<vmem>>, vector<16xf32>,
    %swap3A_190 = vector.shape_cast %swap3A_189 : vector<16xf32> to vector<16xf32>
    %swap3A_191 = vector.shape_cast %gather3A_4 : vector<16xf32> to vector<16xf32>
    tpu.vector_store %arg5[%swap3A_188], %swap3A_191 {strides = array<i32>} : memref<2048xf32, #tpu.memory_space<vmem>>, vector<16xf32>,
    %swap3A_192 = arith.constant 752 : index
    %swap3A_193 = tpu.vector_load %arg5[%swap3A_192] {strides = array<i32>} : memref<2048xf32, #tpu.memory_space<vmem>>, vector<16xf32>,
    %swap3A_194 = vector.shape_cast %swap3A_193 : vector<16xf32> to vector<16xf32>
    %swap3A_195 = vector.shape_cast %gather3A_4 : vector<16xf32> to vector<16xf32>
    tpu.vector_store %arg5[%swap3A_192], %swap3A_195 {strides = array<i32>} : memref<2048xf32, #tpu.memory_space<vmem>>, vector<16xf32>,
    %swap3A_196 = arith.constant 768 : index
    %swap3A_197 = tpu.vector_load %arg5[%swap3A_196] {strides = array<i32>} : memref<2048xf32, #tpu.memory_space<vmem>>, vector<16xf32>,
    %swap3A_198 = vector.shape_cast %swap3A_197 : vector<16xf32> to vector<16xf32>
    %swap3A_199 = vector.shape_cast %gather3A_4 : vector<16xf32> to vector<16xf32>
    tpu.vector_store %arg5[%swap3A_196], %swap3A_199 {strides = array<i32>} : memref<2048xf32, #tpu.memory_space<vmem>>, vector<16xf32>,
    %swap3A_200 = arith.constant 784 : index
    %swap3A_201 = tpu.vector_load %arg5[%swap3A_200] {strides = array<i32>} : memref<2048xf32, #tpu.memory_space<vmem>>, vector<16xf32>,
    %swap3A_202 = vector.shape_cast %swap3A_201 : vector<16xf32> to vector<16xf32>
    %swap3A_203 = vector.shape_cast %gather3A_4 : vector<16xf32> to vector<16xf32>
    tpu.vector_store %arg5[%swap3A_200], %swap3A_203 {strides = array<i32>} : memref<2048xf32, #tpu.memory_space<vmem>>, vector<16xf32>,
    %swap3A_204 = arith.constant 800 : index
    %swap3A_205 = tpu.vector_load %arg5[%swap3A_204] {strides = array<i32>} : memref<2048xf32, #tpu.memory_space<vmem>>, vector<16xf32>,
    %swap3A_206 = vector.shape_cast %swap3A_205 : vector<16xf32> to vector<16xf32>
    %swap3A_207 = vector.shape_cast %gather3A_4 : vector<16xf32> to vector<16xf32>
    tpu.vector_store %arg5[%swap3A_204], %swap3A_207 {strides = array<i32>} : memref<2048xf32, #tpu.memory_space<vmem>>, vector<16xf32>,
    %swap3A_208 = arith.constant 816 : index
    %swap3A_209 = tpu.vector_load %arg5[%swap3A_208] {strides = array<i32>} : memref<2048xf32, #tpu.memory_space<vmem>>, vector<16xf32>,
    %swap3A_210 = vector.shape_cast %swap3A_209 : vector<16xf32> to vector<16xf32>
    %swap3A_211 = vector.shape_cast %gather3A_4 : vector<16xf32> to vector<16xf32>
    tpu.vector_store %arg5[%swap3A_208], %swap3A_211 {strides = array<i32>} : memref<2048xf32, #tpu.memory_space<vmem>>, vector<16xf32>,
    %swap3A_212 = arith.constant 832 : index
    %swap3A_213 = tpu.vector_load %arg5[%swap3A_212] {strides = array<i32>} : memref<2048xf32, #tpu.memory_space<vmem>>, vector<16xf32>,
    %swap3A_214 = vector.shape_cast %swap3A_213 : vector<16xf32> to vector<16xf32>
    %swap3A_215 = vector.shape_cast %gather3A_4 : vector<16xf32> to vector<16xf32>
    tpu.vector_store %arg5[%swap3A_212], %swap3A_215 {strides = array<i32>} : memref<2048xf32, #tpu.memory_space<vmem>>, vector<16xf32>,
    %swap3A_216 = arith.constant 848 : index
    %swap3A_217 = tpu.vector_load %arg5[%swap3A_216] {strides = array<i32>} : memref<2048xf32, #tpu.memory_space<vmem>>, vector<16xf32>,
    %swap3A_218 = vector.shape_cast %swap3A_217 : vector<16xf32> to vector<16xf32>
    %swap3A_219 = vector.shape_cast %gather3A_4 : vector<16xf32> to vector<16xf32>
    tpu.vector_store %arg5[%swap3A_216], %swap3A_219 {strides = array<i32>} : memref<2048xf32, #tpu.memory_space<vmem>>, vector<16xf32>,
    %swap3A_220 = arith.constant 864 : index
    %swap3A_221 = tpu.vector_load %arg5[%swap3A_220] {strides = array<i32>} : memref<2048xf32, #tpu.memory_space<vmem>>, vector<16xf32>,
    %swap3A_222 = vector.shape_cast %swap3A_221 : vector<16xf32> to vector<16xf32>
    %swap3A_223 = vector.shape_cast %gather3A_4 : vector<16xf32> to vector<16xf32>
    tpu.vector_store %arg5[%swap3A_220], %swap3A_223 {strides = array<i32>} : memref<2048xf32, #tpu.memory_space<vmem>>, vector<16xf32>,
    %swap3A_224 = arith.constant 880 : index
    %swap3A_225 = tpu.vector_load %arg5[%swap3A_224] {strides = array<i32>} : memref<2048xf32, #tpu.memory_space<vmem>>, vector<16xf32>,
    %swap3A_226 = vector.shape_cast %swap3A_225 : vector<16xf32> to vector<16xf32>
    %swap3A_227 = vector.shape_cast %gather3A_4 : vector<16xf32> to vector<16xf32>
    tpu.vector_store %arg5[%swap3A_224], %swap3A_227 {strides = array<i32>} : memref<2048xf32, #tpu.memory_space<vmem>>, vector<16xf32>,
    %swap3A_228 = arith.constant 896 : index
    %swap3A_229 = tpu.vector_load %arg5[%swap3A_228] {strides = array<i32>} : memref<2048xf32, #tpu.memory_space<vmem>>, vector<16xf32>,
    %swap3A_230 = vector.shape_cast %swap3A_229 : vector<16xf32> to vector<16xf32>
    %swap3A_231 = vector.shape_cast %gather3A_4 : vector<16xf32> to vector<16xf32>
    tpu.vector_store %arg5[%swap3A_228], %swap3A_231 {strides = array<i32>} : memref<2048xf32, #tpu.memory_space<vmem>>, vector<16xf32>,
    %swap3A_232 = arith.constant 912 : index
    %swap3A_233 = tpu.vector_load %arg5[%swap3A_232] {strides = array<i32>} : memref<2048xf32, #tpu.memory_space<vmem>>, vector<16xf32>,
    %swap3A_234 = vector.shape_cast %swap3A_233 : vector<16xf32> to vector<16xf32>
    %swap3A_235 = vector.shape_cast %gather3A_4 : vector<16xf32> to vector<16xf32>
    tpu.vector_store %arg5[%swap3A_232], %swap3A_235 {strides = array<i32>} : memref<2048xf32, #tpu.memory_space<vmem>>, vector<16xf32>,
    %swap3A_236 = arith.constant 928 : index
    %swap3A_237 = tpu.vector_load %arg5[%swap3A_236] {strides = array<i32>} : memref<2048xf32, #tpu.memory_space<vmem>>, vector<16xf32>,
    %swap3A_238 = vector.shape_cast %swap3A_237 : vector<16xf32> to vector<16xf32>
    %swap3A_239 = vector.shape_cast %gather3A_4 : vector<16xf32> to vector<16xf32>
    tpu.vector_store %arg5[%swap3A_236], %swap3A_239 {strides = array<i32>} : memref<2048xf32, #tpu.memory_space<vmem>>, vector<16xf32>,
    %swap3A_240 = arith.constant 944 : index
    %swap3A_241 = tpu.vector_load %arg5[%swap3A_240] {strides = array<i32>} : memref<2048xf32, #tpu.memory_space<vmem>>, vector<16xf32>,
    %swap3A_242 = vector.shape_cast %swap3A_241 : vector<16xf32> to vector<16xf32>
    %swap3A_243 = vector.shape_cast %gather3A_4 : vector<16xf32> to vector<16xf32>
    tpu.vector_store %arg5[%swap3A_240], %swap3A_243 {strides = array<i32>} : memref<2048xf32, #tpu.memory_space<vmem>>, vector<16xf32>,
    %swap3A_244 = arith.constant 960 : index
    %swap3A_245 = tpu.vector_load %arg5[%swap3A_244] {strides = array<i32>} : memref<2048xf32, #tpu.memory_space<vmem>>, vector<16xf32>,
    %swap3A_246 = vector.shape_cast %swap3A_245 : vector<16xf32> to vector<16xf32>
    %swap3A_247 = vector.shape_cast %gather3A_4 : vector<16xf32> to vector<16xf32>
    tpu.vector_store %arg5[%swap3A_244], %swap3A_247 {strides = array<i32>} : memref<2048xf32, #tpu.memory_space<vmem>>, vector<16xf32>,
    %swap3A_248 = arith.constant 976 : index
    %swap3A_249 = tpu.vector_load %arg5[%swap3A_248] {strides = array<i32>} : memref<2048xf32, #tpu.memory_space<vmem>>, vector<16xf32>,
    %swap3A_250 = vector.shape_cast %swap3A_249 : vector<16xf32> to vector<16xf32>
    %swap3A_251 = vector.shape_cast %gather3A_4 : vector<16xf32> to vector<16xf32>
    tpu.vector_store %arg5[%swap3A_248], %swap3A_251 {strides = array<i32>} : memref<2048xf32, #tpu.memory_space<vmem>>, vector<16xf32>,
    %swap3A_252 = arith.constant 992 : index
    %swap3A_253 = tpu.vector_load %arg5[%swap3A_252] {strides = array<i32>} : memref<2048xf32, #tpu.memory_space<vmem>>, vector<16xf32>,
    %swap3A_254 = vector.shape_cast %swap3A_253 : vector<16xf32> to vector<16xf32>
    %swap3A_255 = vector.shape_cast %gather3A_4 : vector<16xf32> to vector<16xf32>
    tpu.vector_store %arg5[%swap3A_252], %swap3A_255 {strides = array<i32>} : memref<2048xf32, #tpu.memory_space<vmem>>, vector<16xf32>,
    %swap3A_256 = arith.constant 1008 : index
    %swap3A_257 = tpu.vector_load %arg5[%swap3A_256] {strides = array<i32>} : memref<2048xf32, #tpu.memory_space<vmem>>, vector<16xf32>,
    %swap3A_258 = vector.shape_cast %swap3A_257 : vector<16xf32> to vector<16xf32>
    %swap3A_259 = vector.shape_cast %gather3A_4 : vector<16xf32> to vector<16xf32>
    tpu.vector_store %arg5[%swap3A_256], %swap3A_259 {strides = array<i32>} : memref<2048xf32, #tpu.memory_space<vmem>>, vector<16xf32>,
    %swap3A_260 = arith.constant 1024 : index
    %swap3A_261 = tpu.vector_load %arg5[%swap3A_260] {strides = array<i32>} : memref<2048xf32, #tpu.memory_space<vmem>>, vector<16xf32>,
    %swap3A_262 = vector.shape_cast %swap3A_261 : vector<16xf32> to vector<16xf32>
    %swap3A_263 = vector.shape_cast %gather3A_4 : vector<16xf32> to vector<16xf32>
    tpu.vector_store %arg5[%swap3A_260], %swap3A_263 {strides = array<i32>} : memref<2048xf32, #tpu.memory_space<vmem>>, vector<16xf32>,
    %swap3A_264 = arith.constant 1040 : index
    %swap3A_265 = tpu.vector_load %arg5[%swap3A_264] {strides = array<i32>} : memref<2048xf32, #tpu.memory_space<vmem>>, vector<16xf32>,
    %swap3A_266 = vector.shape_cast %swap3A_265 : vector<16xf32> to vector<16xf32>
    %swap3A_267 = vector.shape_cast %gather3A_4 : vector<16xf32> to vector<16xf32>
    tpu.vector_store %arg5[%swap3A_264], %swap3A_267 {strides = array<i32>} : memref<2048xf32, #tpu.memory_space<vmem>>, vector<16xf32>,
    %swap3A_268 = arith.constant 1056 : index
    %swap3A_269 = tpu.vector_load %arg5[%swap3A_268] {strides = array<i32>} : memref<2048xf32, #tpu.memory_space<vmem>>, vector<16xf32>,
    %swap3A_270 = vector.shape_cast %swap3A_269 : vector<16xf32> to vector<16xf32>
    %swap3A_271 = vector.shape_cast %gather3A_4 : vector<16xf32> to vector<16xf32>
    tpu.vector_store %arg5[%swap3A_268], %swap3A_271 {strides = array<i32>} : memref<2048xf32, #tpu.memory_space<vmem>>, vector<16xf32>,
    %swap3A_272 = arith.constant 1072 : index
    %swap3A_273 = tpu.vector_load %arg5[%swap3A_272] {strides = array<i32>} : memref<2048xf32, #tpu.memory_space<vmem>>, vector<16xf32>,
    %swap3A_274 = vector.shape_cast %swap3A_273 : vector<16xf32> to vector<16xf32>
    %swap3A_275 = vector.shape_cast %gather3A_4 : vector<16xf32> to vector<16xf32>
    tpu.vector_store %arg5[%swap3A_272], %swap3A_275 {strides = array<i32>} : memref<2048xf32, #tpu.memory_space<vmem>>, vector<16xf32>,
    %swap3A_276 = arith.constant 1088 : index
    %swap3A_277 = tpu.vector_load %arg5[%swap3A_276] {strides = array<i32>} : memref<2048xf32, #tpu.memory_space<vmem>>, vector<16xf32>,
    %swap3A_278 = vector.shape_cast %swap3A_277 : vector<16xf32> to vector<16xf32>
    %swap3A_279 = vector.shape_cast %gather3A_4 : vector<16xf32> to vector<16xf32>
    tpu.vector_store %arg5[%swap3A_276], %swap3A_279 {strides = array<i32>} : memref<2048xf32, #tpu.memory_space<vmem>>, vector<16xf32>,
    %swap3A_280 = arith.constant 1104 : index
    %swap3A_281 = tpu.vector_load %arg5[%swap3A_280] {strides = array<i32>} : memref<2048xf32, #tpu.memory_space<vmem>>, vector<16xf32>,
    %swap3A_282 = vector.shape_cast %swap3A_281 : vector<16xf32> to vector<16xf32>
    %swap3A_283 = vector.shape_cast %gather3A_4 : vector<16xf32> to vector<16xf32>
    tpu.vector_store %arg5[%swap3A_280], %swap3A_283 {strides = array<i32>} : memref<2048xf32, #tpu.memory_space<vmem>>, vector<16xf32>,
    %swap3A_284 = arith.constant 1120 : index
    %swap3A_285 = tpu.vector_load %arg5[%swap3A_284] {strides = array<i32>} : memref<2048xf32, #tpu.memory_space<vmem>>, vector<16xf32>,
    %swap3A_286 = vector.shape_cast %swap3A_285 : vector<16xf32> to vector<16xf32>
    %swap3A_287 = vector.shape_cast %gather3A_4 : vector<16xf32> to vector<16xf32>
    tpu.vector_store %arg5[%swap3A_284], %swap3A_287 {strides = array<i32>} : memref<2048xf32, #tpu.memory_space<vmem>>, vector<16xf32>,
    %swap3A_288 = arith.constant 1136 : index
    %swap3A_289 = tpu.vector_load %arg5[%swap3A_288] {strides = array<i32>} : memref<2048xf32, #tpu.memory_space<vmem>>, vector<16xf32>,
    %swap3A_290 = vector.shape_cast %swap3A_289 : vector<16xf32> to vector<16xf32>
    %swap3A_291 = vector.shape_cast %gather3A_4 : vector<16xf32> to vector<16xf32>
    tpu.vector_store %arg5[%swap3A_288], %swap3A_291 {strides = array<i32>} : memref<2048xf32, #tpu.memory_space<vmem>>, vector<16xf32>,
    %swap3A_292 = arith.constant 1152 : index
    %swap3A_293 = tpu.vector_load %arg5[%swap3A_292] {strides = array<i32>} : memref<2048xf32, #tpu.memory_space<vmem>>, vector<16xf32>,
    %swap3A_294 = vector.shape_cast %swap3A_293 : vector<16xf32> to vector<16xf32>
    %swap3A_295 = vector.shape_cast %gather3A_4 : vector<16xf32> to vector<16xf32>
    tpu.vector_store %arg5[%swap3A_292], %swap3A_295 {strides = array<i32>} : memref<2048xf32, #tpu.memory_space<vmem>>, vector<16xf32>,
    %swap3A_296 = arith.constant 1168 : index
    %swap3A_297 = tpu.vector_load %arg5[%swap3A_296] {strides = array<i32>} : memref<2048xf32, #tpu.memory_space<vmem>>, vector<16xf32>,
    %swap3A_298 = vector.shape_cast %swap3A_297 : vector<16xf32> to vector<16xf32>
    %swap3A_299 = vector.shape_cast %gather3A_4 : vector<16xf32> to vector<16xf32>
    tpu.vector_store %arg5[%swap3A_296], %swap3A_299 {strides = array<i32>} : memref<2048xf32, #tpu.memory_space<vmem>>, vector<16xf32>,
    %swap3A_300 = arith.constant 1184 : index
    %swap3A_301 = tpu.vector_load %arg5[%swap3A_300] {strides = array<i32>} : memref<2048xf32, #tpu.memory_space<vmem>>, vector<16xf32>,
    %swap3A_302 = vector.shape_cast %swap3A_301 : vector<16xf32> to vector<16xf32>
    %swap3A_303 = vector.shape_cast %gather3A_4 : vector<16xf32> to vector<16xf32>
    tpu.vector_store %arg5[%swap3A_300], %swap3A_303 {strides = array<i32>} : memref<2048xf32, #tpu.memory_space<vmem>>, vector<16xf32>,
    %swap3A_304 = arith.constant 1200 : index
    %swap3A_305 = tpu.vector_load %arg5[%swap3A_304] {strides = array<i32>} : memref<2048xf32, #tpu.memory_space<vmem>>, vector<16xf32>,
    %swap3A_306 = vector.shape_cast %swap3A_305 : vector<16xf32> to vector<16xf32>
    %swap3A_307 = vector.shape_cast %gather3A_4 : vector<16xf32> to vector<16xf32>
    tpu.vector_store %arg5[%swap3A_304], %swap3A_307 {strides = array<i32>} : memref<2048xf32, #tpu.memory_space<vmem>>, vector<16xf32>,
    %swap3A_308 = arith.constant 1216 : index
    %swap3A_309 = tpu.vector_load %arg5[%swap3A_308] {strides = array<i32>} : memref<2048xf32, #tpu.memory_space<vmem>>, vector<16xf32>,
    %swap3A_310 = vector.shape_cast %swap3A_309 : vector<16xf32> to vector<16xf32>
    %swap3A_311 = vector.shape_cast %gather3A_4 : vector<16xf32> to vector<16xf32>
    tpu.vector_store %arg5[%swap3A_308], %swap3A_311 {strides = array<i32>} : memref<2048xf32, #tpu.memory_space<vmem>>, vector<16xf32>,
    %swap3A_312 = arith.constant 1232 : index
    %swap3A_313 = tpu.vector_load %arg5[%swap3A_312] {strides = array<i32>} : memref<2048xf32, #tpu.memory_space<vmem>>, vector<16xf32>,
    %swap3A_314 = vector.shape_cast %swap3A_313 : vector<16xf32> to vector<16xf32>
    %swap3A_315 = vector.shape_cast %gather3A_4 : vector<16xf32> to vector<16xf32>
    tpu.vector_store %arg5[%swap3A_312], %swap3A_315 {strides = array<i32>} : memref<2048xf32, #tpu.memory_space<vmem>>, vector<16xf32>,
    %swap3A_316 = arith.constant 1248 : index
    %swap3A_317 = tpu.vector_load %arg5[%swap3A_316] {strides = array<i32>} : memref<2048xf32, #tpu.memory_space<vmem>>, vector<16xf32>,
    %swap3A_318 = vector.shape_cast %swap3A_317 : vector<16xf32> to vector<16xf32>
    %swap3A_319 = vector.shape_cast %gather3A_4 : vector<16xf32> to vector<16xf32>
    tpu.vector_store %arg5[%swap3A_316], %swap3A_319 {strides = array<i32>} : memref<2048xf32, #tpu.memory_space<vmem>>, vector<16xf32>,
    %swap3A_320 = arith.constant 1264 : index
    %swap3A_321 = tpu.vector_load %arg5[%swap3A_320] {strides = array<i32>} : memref<2048xf32, #tpu.memory_space<vmem>>, vector<16xf32>,
    %swap3A_322 = vector.shape_cast %swap3A_321 : vector<16xf32> to vector<16xf32>
    %swap3A_323 = vector.shape_cast %gather3A_4 : vector<16xf32> to vector<16xf32>
    tpu.vector_store %arg5[%swap3A_320], %swap3A_323 {strides = array<i32>} : memref<2048xf32, #tpu.memory_space<vmem>>, vector<16xf32>,
    %swap3A_324 = arith.constant 1280 : index
    %swap3A_325 = tpu.vector_load %arg5[%swap3A_324] {strides = array<i32>} : memref<2048xf32, #tpu.memory_space<vmem>>, vector<16xf32>,
    %swap3A_326 = vector.shape_cast %swap3A_325 : vector<16xf32> to vector<16xf32>
    %swap3A_327 = vector.shape_cast %gather3A_4 : vector<16xf32> to vector<16xf32>
    tpu.vector_store %arg5[%swap3A_324], %swap3A_327 {strides = array<i32>} : memref<2048xf32, #tpu.memory_space<vmem>>, vector<16xf32>,
    %swap3A_328 = arith.constant 1296 : index
    %swap3A_329 = tpu.vector_load %arg5[%swap3A_328] {strides = array<i32>} : memref<2048xf32, #tpu.memory_space<vmem>>, vector<16xf32>,
    %swap3A_330 = vector.shape_cast %swap3A_329 : vector<16xf32> to vector<16xf32>
    %swap3A_331 = vector.shape_cast %gather3A_4 : vector<16xf32> to vector<16xf32>
    tpu.vector_store %arg5[%swap3A_328], %swap3A_331 {strides = array<i32>} : memref<2048xf32, #tpu.memory_space<vmem>>, vector<16xf32>,
    %swap3A_332 = arith.constant 1312 : index
    %swap3A_333 = tpu.vector_load %arg5[%swap3A_332] {strides = array<i32>} : memref<2048xf32, #tpu.memory_space<vmem>>, vector<16xf32>,
    %swap3A_334 = vector.shape_cast %swap3A_333 : vector<16xf32> to vector<16xf32>
    %swap3A_335 = vector.shape_cast %gather3A_4 : vector<16xf32> to vector<16xf32>
    tpu.vector_store %arg5[%swap3A_332], %swap3A_335 {strides = array<i32>} : memref<2048xf32, #tpu.memory_space<vmem>>, vector<16xf32>,
    %swap3A_336 = arith.constant 1328 : index
    %swap3A_337 = tpu.vector_load %arg5[%swap3A_336] {strides = array<i32>} : memref<2048xf32, #tpu.memory_space<vmem>>, vector<16xf32>,
    %swap3A_338 = vector.shape_cast %swap3A_337 : vector<16xf32> to vector<16xf32>
    %swap3A_339 = vector.shape_cast %gather3A_4 : vector<16xf32> to vector<16xf32>
    tpu.vector_store %arg5[%swap3A_336], %swap3A_339 {strides = array<i32>} : memref<2048xf32, #tpu.memory_space<vmem>>, vector<16xf32>,
    %swap3A_340 = arith.constant 1344 : index
    %swap3A_341 = tpu.vector_load %arg5[%swap3A_340] {strides = array<i32>} : memref<2048xf32, #tpu.memory_space<vmem>>, vector<16xf32>,
    %swap3A_342 = vector.shape_cast %swap3A_341 : vector<16xf32> to vector<16xf32>
    %swap3A_343 = vector.shape_cast %gather3A_4 : vector<16xf32> to vector<16xf32>
    tpu.vector_store %arg5[%swap3A_340], %swap3A_343 {strides = array<i32>} : memref<2048xf32, #tpu.memory_space<vmem>>, vector<16xf32>,
    %swap3A_344 = arith.constant 1360 : index
    %swap3A_345 = tpu.vector_load %arg5[%swap3A_344] {strides = array<i32>} : memref<2048xf32, #tpu.memory_space<vmem>>, vector<16xf32>,
    %swap3A_346 = vector.shape_cast %swap3A_345 : vector<16xf32> to vector<16xf32>
    %swap3A_347 = vector.shape_cast %gather3A_4 : vector<16xf32> to vector<16xf32>
    tpu.vector_store %arg5[%swap3A_344], %swap3A_347 {strides = array<i32>} : memref<2048xf32, #tpu.memory_space<vmem>>, vector<16xf32>,
    %swap3A_348 = arith.constant 1376 : index
    %swap3A_349 = tpu.vector_load %arg5[%swap3A_348] {strides = array<i32>} : memref<2048xf32, #tpu.memory_space<vmem>>, vector<16xf32>,
    %swap3A_350 = vector.shape_cast %swap3A_349 : vector<16xf32> to vector<16xf32>
    %swap3A_351 = vector.shape_cast %gather3A_4 : vector<16xf32> to vector<16xf32>
    tpu.vector_store %arg5[%swap3A_348], %swap3A_351 {strides = array<i32>} : memref<2048xf32, #tpu.memory_space<vmem>>, vector<16xf32>,
    %swap3A_352 = arith.constant 1392 : index
    %swap3A_353 = tpu.vector_load %arg5[%swap3A_352] {strides = array<i32>} : memref<2048xf32, #tpu.memory_space<vmem>>, vector<16xf32>,
    %swap3A_354 = vector.shape_cast %swap3A_353 : vector<16xf32> to vector<16xf32>
    %swap3A_355 = vector.shape_cast %gather3A_4 : vector<16xf32> to vector<16xf32>
    tpu.vector_store %arg5[%swap3A_352], %swap3A_355 {strides = array<i32>} : memref<2048xf32, #tpu.memory_space<vmem>>, vector<16xf32>,
    %swap3A_356 = arith.constant 1408 : index
    %swap3A_357 = tpu.vector_load %arg5[%swap3A_356] {strides = array<i32>} : memref<2048xf32, #tpu.memory_space<vmem>>, vector<16xf32>,
    %swap3A_358 = vector.shape_cast %swap3A_357 : vector<16xf32> to vector<16xf32>
    %swap3A_359 = vector.shape_cast %gather3A_4 : vector<16xf32> to vector<16xf32>
    tpu.vector_store %arg5[%swap3A_356], %swap3A_359 {strides = array<i32>} : memref<2048xf32, #tpu.memory_space<vmem>>, vector<16xf32>,
    %swap3A_360 = arith.constant 1424 : index
    %swap3A_361 = tpu.vector_load %arg5[%swap3A_360] {strides = array<i32>} : memref<2048xf32, #tpu.memory_space<vmem>>, vector<16xf32>,
    %swap3A_362 = vector.shape_cast %swap3A_361 : vector<16xf32> to vector<16xf32>
    %swap3A_363 = vector.shape_cast %gather3A_4 : vector<16xf32> to vector<16xf32>
    tpu.vector_store %arg5[%swap3A_360], %swap3A_363 {strides = array<i32>} : memref<2048xf32, #tpu.memory_space<vmem>>, vector<16xf32>,
    %swap3A_364 = arith.constant 1440 : index
    %swap3A_365 = tpu.vector_load %arg5[%swap3A_364] {strides = array<i32>} : memref<2048xf32, #tpu.memory_space<vmem>>, vector<16xf32>,
    %swap3A_366 = vector.shape_cast %swap3A_365 : vector<16xf32> to vector<16xf32>
    %swap3A_367 = vector.shape_cast %gather3A_4 : vector<16xf32> to vector<16xf32>
    tpu.vector_store %arg5[%swap3A_364], %swap3A_367 {strides = array<i32>} : memref<2048xf32, #tpu.memory_space<vmem>>, vector<16xf32>,
    %swap3A_368 = arith.constant 1456 : index
    %swap3A_369 = tpu.vector_load %arg5[%swap3A_368] {strides = array<i32>} : memref<2048xf32, #tpu.memory_space<vmem>>, vector<16xf32>,
    %swap3A_370 = vector.shape_cast %swap3A_369 : vector<16xf32> to vector<16xf32>
    %swap3A_371 = vector.shape_cast %gather3A_4 : vector<16xf32> to vector<16xf32>
    tpu.vector_store %arg5[%swap3A_368], %swap3A_371 {strides = array<i32>} : memref<2048xf32, #tpu.memory_space<vmem>>, vector<16xf32>,
    %swap3A_372 = arith.constant 1472 : index
    %swap3A_373 = tpu.vector_load %arg5[%swap3A_372] {strides = array<i32>} : memref<2048xf32, #tpu.memory_space<vmem>>, vector<16xf32>,
    %swap3A_374 = vector.shape_cast %swap3A_373 : vector<16xf32> to vector<16xf32>
    %swap3A_375 = vector.shape_cast %gather3A_4 : vector<16xf32> to vector<16xf32>
    tpu.vector_store %arg5[%swap3A_372], %swap3A_375 {strides = array<i32>} : memref<2048xf32, #tpu.memory_space<vmem>>, vector<16xf32>,
    %swap3A_376 = arith.constant 1488 : index
    %swap3A_377 = tpu.vector_load %arg5[%swap3A_376] {strides = array<i32>} : memref<2048xf32, #tpu.memory_space<vmem>>, vector<16xf32>,
    %swap3A_378 = vector.shape_cast %swap3A_377 : vector<16xf32> to vector<16xf32>
    %swap3A_379 = vector.shape_cast %gather3A_4 : vector<16xf32> to vector<16xf32>
    tpu.vector_store %arg5[%swap3A_376], %swap3A_379 {strides = array<i32>} : memref<2048xf32, #tpu.memory_space<vmem>>, vector<16xf32>,
    %swap3A_380 = arith.constant 1504 : index
    %swap3A_381 = tpu.vector_load %arg5[%swap3A_380] {strides = array<i32>} : memref<2048xf32, #tpu.memory_space<vmem>>, vector<16xf32>,
    %swap3A_382 = vector.shape_cast %swap3A_381 : vector<16xf32> to vector<16xf32>
    %swap3A_383 = vector.shape_cast %gather3A_4 : vector<16xf32> to vector<16xf32>
    tpu.vector_store %arg5[%swap3A_380], %swap3A_383 {strides = array<i32>} : memref<2048xf32, #tpu.memory_space<vmem>>, vector<16xf32>,
    %swap3A_384 = arith.constant 1520 : index
    %swap3A_385 = tpu.vector_load %arg5[%swap3A_384] {strides = array<i32>} : memref<2048xf32, #tpu.memory_space<vmem>>, vector<16xf32>,
    %swap3A_386 = vector.shape_cast %swap3A_385 : vector<16xf32> to vector<16xf32>
    %swap3A_387 = vector.shape_cast %gather3A_4 : vector<16xf32> to vector<16xf32>
    tpu.vector_store %arg5[%swap3A_384], %swap3A_387 {strides = array<i32>} : memref<2048xf32, #tpu.memory_space<vmem>>, vector<16xf32>,
    %swap3A_388 = arith.constant 1536 : index
    %swap3A_389 = tpu.vector_load %arg5[%swap3A_388] {strides = array<i32>} : memref<2048xf32, #tpu.memory_space<vmem>>, vector<16xf32>,
    %swap3A_390 = vector.shape_cast %swap3A_389 : vector<16xf32> to vector<16xf32>
    %swap3A_391 = vector.shape_cast %gather3A_4 : vector<16xf32> to vector<16xf32>
    tpu.vector_store %arg5[%swap3A_388], %swap3A_391 {strides = array<i32>} : memref<2048xf32, #tpu.memory_space<vmem>>, vector<16xf32>,
    %swap3A_392 = arith.constant 1552 : index
    %swap3A_393 = tpu.vector_load %arg5[%swap3A_392] {strides = array<i32>} : memref<2048xf32, #tpu.memory_space<vmem>>, vector<16xf32>,
    %swap3A_394 = vector.shape_cast %swap3A_393 : vector<16xf32> to vector<16xf32>
    %swap3A_395 = vector.shape_cast %gather3A_4 : vector<16xf32> to vector<16xf32>
    tpu.vector_store %arg5[%swap3A_392], %swap3A_395 {strides = array<i32>} : memref<2048xf32, #tpu.memory_space<vmem>>, vector<16xf32>,
    %swap3A_396 = arith.constant 1568 : index
    %swap3A_397 = tpu.vector_load %arg5[%swap3A_396] {strides = array<i32>} : memref<2048xf32, #tpu.memory_space<vmem>>, vector<16xf32>,
    %swap3A_398 = vector.shape_cast %swap3A_397 : vector<16xf32> to vector<16xf32>
    %swap3A_399 = vector.shape_cast %gather3A_4 : vector<16xf32> to vector<16xf32>
    tpu.vector_store %arg5[%swap3A_396], %swap3A_399 {strides = array<i32>} : memref<2048xf32, #tpu.memory_space<vmem>>, vector<16xf32>,
    %swap3A_400 = arith.constant 1584 : index
    %swap3A_401 = tpu.vector_load %arg5[%swap3A_400] {strides = array<i32>} : memref<2048xf32, #tpu.memory_space<vmem>>, vector<16xf32>,
    %swap3A_402 = vector.shape_cast %swap3A_401 : vector<16xf32> to vector<16xf32>
    %swap3A_403 = vector.shape_cast %gather3A_4 : vector<16xf32> to vector<16xf32>
    tpu.vector_store %arg5[%swap3A_400], %swap3A_403 {strides = array<i32>} : memref<2048xf32, #tpu.memory_space<vmem>>, vector<16xf32>,
    %swap3A_404 = arith.constant 1600 : index
    %swap3A_405 = tpu.vector_load %arg5[%swap3A_404] {strides = array<i32>} : memref<2048xf32, #tpu.memory_space<vmem>>, vector<16xf32>,
    %swap3A_406 = vector.shape_cast %swap3A_405 : vector<16xf32> to vector<16xf32>
    %swap3A_407 = vector.shape_cast %gather3A_4 : vector<16xf32> to vector<16xf32>
    tpu.vector_store %arg5[%swap3A_404], %swap3A_407 {strides = array<i32>} : memref<2048xf32, #tpu.memory_space<vmem>>, vector<16xf32>,
    %swap3A_408 = arith.constant 1616 : index
    %swap3A_409 = tpu.vector_load %arg5[%swap3A_408] {strides = array<i32>} : memref<2048xf32, #tpu.memory_space<vmem>>, vector<16xf32>,
    %swap3A_410 = vector.shape_cast %swap3A_409 : vector<16xf32> to vector<16xf32>
    %swap3A_411 = vector.shape_cast %gather3A_4 : vector<16xf32> to vector<16xf32>
    tpu.vector_store %arg5[%swap3A_408], %swap3A_411 {strides = array<i32>} : memref<2048xf32, #tpu.memory_space<vmem>>, vector<16xf32>,
    %swap3A_412 = arith.constant 1632 : index
    %swap3A_413 = tpu.vector_load %arg5[%swap3A_412] {strides = array<i32>} : memref<2048xf32, #tpu.memory_space<vmem>>, vector<16xf32>,
    %swap3A_414 = vector.shape_cast %swap3A_413 : vector<16xf32> to vector<16xf32>
    %swap3A_415 = vector.shape_cast %gather3A_4 : vector<16xf32> to vector<16xf32>
    tpu.vector_store %arg5[%swap3A_412], %swap3A_415 {strides = array<i32>} : memref<2048xf32, #tpu.memory_space<vmem>>, vector<16xf32>,
    %swap3A_416 = arith.constant 1648 : index
    %swap3A_417 = tpu.vector_load %arg5[%swap3A_416] {strides = array<i32>} : memref<2048xf32, #tpu.memory_space<vmem>>, vector<16xf32>,
    %swap3A_418 = vector.shape_cast %swap3A_417 : vector<16xf32> to vector<16xf32>
    %swap3A_419 = vector.shape_cast %gather3A_4 : vector<16xf32> to vector<16xf32>
    tpu.vector_store %arg5[%swap3A_416], %swap3A_419 {strides = array<i32>} : memref<2048xf32, #tpu.memory_space<vmem>>, vector<16xf32>,
    %swap3A_420 = arith.constant 1664 : index
    %swap3A_421 = tpu.vector_load %arg5[%swap3A_420] {strides = array<i32>} : memref<2048xf32, #tpu.memory_space<vmem>>, vector<16xf32>,
    %swap3A_422 = vector.shape_cast %swap3A_421 : vector<16xf32> to vector<16xf32>
    %swap3A_423 = vector.shape_cast %gather3A_4 : vector<16xf32> to vector<16xf32>
    tpu.vector_store %arg5[%swap3A_420], %swap3A_423 {strides = array<i32>} : memref<2048xf32, #tpu.memory_space<vmem>>, vector<16xf32>,
    %swap3A_424 = arith.constant 1680 : index
    %swap3A_425 = tpu.vector_load %arg5[%swap3A_424] {strides = array<i32>} : memref<2048xf32, #tpu.memory_space<vmem>>, vector<16xf32>,
    %swap3A_426 = vector.shape_cast %swap3A_425 : vector<16xf32> to vector<16xf32>
    %swap3A_427 = vector.shape_cast %gather3A_4 : vector<16xf32> to vector<16xf32>
    tpu.vector_store %arg5[%swap3A_424], %swap3A_427 {strides = array<i32>} : memref<2048xf32, #tpu.memory_space<vmem>>, vector<16xf32>,
    %swap3A_428 = arith.constant 1696 : index
    %swap3A_429 = tpu.vector_load %arg5[%swap3A_428] {strides = array<i32>} : memref<2048xf32, #tpu.memory_space<vmem>>, vector<16xf32>,
    %swap3A_430 = vector.shape_cast %swap3A_429 : vector<16xf32> to vector<16xf32>
    %swap3A_431 = vector.shape_cast %gather3A_4 : vector<16xf32> to vector<16xf32>
    tpu.vector_store %arg5[%swap3A_428], %swap3A_431 {strides = array<i32>} : memref<2048xf32, #tpu.memory_space<vmem>>, vector<16xf32>,
    %swap3A_432 = arith.constant 1712 : index
    %swap3A_433 = tpu.vector_load %arg5[%swap3A_432] {strides = array<i32>} : memref<2048xf32, #tpu.memory_space<vmem>>, vector<16xf32>,
    %swap3A_434 = vector.shape_cast %swap3A_433 : vector<16xf32> to vector<16xf32>
    %swap3A_435 = vector.shape_cast %gather3A_4 : vector<16xf32> to vector<16xf32>
    tpu.vector_store %arg5[%swap3A_432], %swap3A_435 {strides = array<i32>} : memref<2048xf32, #tpu.memory_space<vmem>>, vector<16xf32>,
    %swap3A_436 = arith.constant 1728 : index
    %swap3A_437 = tpu.vector_load %arg5[%swap3A_436] {strides = array<i32>} : memref<2048xf32, #tpu.memory_space<vmem>>, vector<16xf32>,
    %swap3A_438 = vector.shape_cast %swap3A_437 : vector<16xf32> to vector<16xf32>
    %swap3A_439 = vector.shape_cast %gather3A_4 : vector<16xf32> to vector<16xf32>
    tpu.vector_store %arg5[%swap3A_436], %swap3A_439 {strides = array<i32>} : memref<2048xf32, #tpu.memory_space<vmem>>, vector<16xf32>,
    %swap3A_440 = arith.constant 1744 : index
    %swap3A_441 = tpu.vector_load %arg5[%swap3A_440] {strides = array<i32>} : memref<2048xf32, #tpu.memory_space<vmem>>, vector<16xf32>,
    %swap3A_442 = vector.shape_cast %swap3A_441 : vector<16xf32> to vector<16xf32>
    %swap3A_443 = vector.shape_cast %gather3A_4 : vector<16xf32> to vector<16xf32>
    tpu.vector_store %arg5[%swap3A_440], %swap3A_443 {strides = array<i32>} : memref<2048xf32, #tpu.memory_space<vmem>>, vector<16xf32>,
    %swap3A_444 = arith.constant 1760 : index
    %swap3A_445 = tpu.vector_load %arg5[%swap3A_444] {strides = array<i32>} : memref<2048xf32, #tpu.memory_space<vmem>>, vector<16xf32>,
    %swap3A_446 = vector.shape_cast %swap3A_445 : vector<16xf32> to vector<16xf32>
    %swap3A_447 = vector.shape_cast %gather3A_4 : vector<16xf32> to vector<16xf32>
    tpu.vector_store %arg5[%swap3A_444], %swap3A_447 {strides = array<i32>} : memref<2048xf32, #tpu.memory_space<vmem>>, vector<16xf32>,
    %swap3A_448 = arith.constant 1776 : index
    %swap3A_449 = tpu.vector_load %arg5[%swap3A_448] {strides = array<i32>} : memref<2048xf32, #tpu.memory_space<vmem>>, vector<16xf32>,
    %swap3A_450 = vector.shape_cast %swap3A_449 : vector<16xf32> to vector<16xf32>
    %swap3A_451 = vector.shape_cast %gather3A_4 : vector<16xf32> to vector<16xf32>
    tpu.vector_store %arg5[%swap3A_448], %swap3A_451 {strides = array<i32>} : memref<2048xf32, #tpu.memory_space<vmem>>, vector<16xf32>,
    %swap3A_452 = arith.constant 1792 : index
    %swap3A_453 = tpu.vector_load %arg5[%swap3A_452] {strides = array<i32>} : memref<2048xf32, #tpu.memory_space<vmem>>, vector<16xf32>,
    %swap3A_454 = vector.shape_cast %swap3A_453 : vector<16xf32> to vector<16xf32>
    %swap3A_455 = vector.shape_cast %gather3A_4 : vector<16xf32> to vector<16xf32>
    tpu.vector_store %arg5[%swap3A_452], %swap3A_455 {strides = array<i32>} : memref<2048xf32, #tpu.memory_space<vmem>>, vector<16xf32>,
    %swap3A_456 = arith.constant 1808 : index
    %swap3A_457 = tpu.vector_load %arg5[%swap3A_456] {strides = array<i32>} : memref<2048xf32, #tpu.memory_space<vmem>>, vector<16xf32>,
    %swap3A_458 = vector.shape_cast %swap3A_457 : vector<16xf32> to vector<16xf32>
    %swap3A_459 = vector.shape_cast %gather3A_4 : vector<16xf32> to vector<16xf32>
    tpu.vector_store %arg5[%swap3A_456], %swap3A_459 {strides = array<i32>} : memref<2048xf32, #tpu.memory_space<vmem>>, vector<16xf32>,
    %swap3A_460 = arith.constant 1824 : index
    %swap3A_461 = tpu.vector_load %arg5[%swap3A_460] {strides = array<i32>} : memref<2048xf32, #tpu.memory_space<vmem>>, vector<16xf32>,
    %swap3A_462 = vector.shape_cast %swap3A_461 : vector<16xf32> to vector<16xf32>
    %swap3A_463 = vector.shape_cast %gather3A_4 : vector<16xf32> to vector<16xf32>
    tpu.vector_store %arg5[%swap3A_460], %swap3A_463 {strides = array<i32>} : memref<2048xf32, #tpu.memory_space<vmem>>, vector<16xf32>,
    %swap3A_464 = arith.constant 1840 : index
    %swap3A_465 = tpu.vector_load %arg5[%swap3A_464] {strides = array<i32>} : memref<2048xf32, #tpu.memory_space<vmem>>, vector<16xf32>,
    %swap3A_466 = vector.shape_cast %swap3A_465 : vector<16xf32> to vector<16xf32>
    %swap3A_467 = vector.shape_cast %gather3A_4 : vector<16xf32> to vector<16xf32>
    tpu.vector_store %arg5[%swap3A_464], %swap3A_467 {strides = array<i32>} : memref<2048xf32, #tpu.memory_space<vmem>>, vector<16xf32>,
    %swap3A_468 = arith.constant 1856 : index
    %swap3A_469 = tpu.vector_load %arg5[%swap3A_468] {strides = array<i32>} : memref<2048xf32, #tpu.memory_space<vmem>>, vector<16xf32>,
    %swap3A_470 = vector.shape_cast %swap3A_469 : vector<16xf32> to vector<16xf32>
    %swap3A_471 = vector.shape_cast %gather3A_4 : vector<16xf32> to vector<16xf32>
    tpu.vector_store %arg5[%swap3A_468], %swap3A_471 {strides = array<i32>} : memref<2048xf32, #tpu.memory_space<vmem>>, vector<16xf32>,
    %swap3A_472 = arith.constant 1872 : index
    %swap3A_473 = tpu.vector_load %arg5[%swap3A_472] {strides = array<i32>} : memref<2048xf32, #tpu.memory_space<vmem>>, vector<16xf32>,
    %swap3A_474 = vector.shape_cast %swap3A_473 : vector<16xf32> to vector<16xf32>
    %swap3A_475 = vector.shape_cast %gather3A_4 : vector<16xf32> to vector<16xf32>
    tpu.vector_store %arg5[%swap3A_472], %swap3A_475 {strides = array<i32>} : memref<2048xf32, #tpu.memory_space<vmem>>, vector<16xf32>,
    %swap3A_476 = arith.constant 1888 : index
    %swap3A_477 = tpu.vector_load %arg5[%swap3A_476] {strides = array<i32>} : memref<2048xf32, #tpu.memory_space<vmem>>, vector<16xf32>,
    %swap3A_478 = vector.shape_cast %swap3A_477 : vector<16xf32> to vector<16xf32>
    %swap3A_479 = vector.shape_cast %gather3A_4 : vector<16xf32> to vector<16xf32>
    tpu.vector_store %arg5[%swap3A_476], %swap3A_479 {strides = array<i32>} : memref<2048xf32, #tpu.memory_space<vmem>>, vector<16xf32>,
    %swap3A_480 = arith.constant 1904 : index
    %swap3A_481 = tpu.vector_load %arg5[%swap3A_480] {strides = array<i32>} : memref<2048xf32, #tpu.memory_space<vmem>>, vector<16xf32>,
    %swap3A_482 = vector.shape_cast %swap3A_481 : vector<16xf32> to vector<16xf32>
    %swap3A_483 = vector.shape_cast %gather3A_4 : vector<16xf32> to vector<16xf32>
    tpu.vector_store %arg5[%swap3A_480], %swap3A_483 {strides = array<i32>} : memref<2048xf32, #tpu.memory_space<vmem>>, vector<16xf32>,
    %swap3A_484 = arith.constant 1920 : index
    %swap3A_485 = tpu.vector_load %arg5[%swap3A_484] {strides = array<i32>} : memref<2048xf32, #tpu.memory_space<vmem>>, vector<16xf32>,
    %swap3A_486 = vector.shape_cast %swap3A_485 : vector<16xf32> to vector<16xf32>
    %swap3A_487 = vector.shape_cast %gather3A_4 : vector<16xf32> to vector<16xf32>
    tpu.vector_store %arg5[%swap3A_484], %swap3A_487 {strides = array<i32>} : memref<2048xf32, #tpu.memory_space<vmem>>, vector<16xf32>,
    %swap3A_488 = arith.constant 1936 : index
    %swap3A_489 = tpu.vector_load %arg5[%swap3A_488] {strides = array<i32>} : memref<2048xf32, #tpu.memory_space<vmem>>, vector<16xf32>,
    %swap3A_490 = vector.shape_cast %swap3A_489 : vector<16xf32> to vector<16xf32>
    %swap3A_491 = vector.shape_cast %gather3A_4 : vector<16xf32> to vector<16xf32>
    tpu.vector_store %arg5[%swap3A_488], %swap3A_491 {strides = array<i32>} : memref<2048xf32, #tpu.memory_space<vmem>>, vector<16xf32>,
    %swap3A_492 = arith.constant 1952 : index
    %swap3A_493 = tpu.vector_load %arg5[%swap3A_492] {strides = array<i32>} : memref<2048xf32, #tpu.memory_space<vmem>>, vector<16xf32>,
    %swap3A_494 = vector.shape_cast %swap3A_493 : vector<16xf32> to vector<16xf32>
    %swap3A_495 = vector.shape_cast %gather3A_4 : vector<16xf32> to vector<16xf32>
    tpu.vector_store %arg5[%swap3A_492], %swap3A_495 {strides = array<i32>} : memref<2048xf32, #tpu.memory_space<vmem>>, vector<16xf32>,
    %swap3A_496 = arith.constant 1968 : index
    %swap3A_497 = tpu.vector_load %arg5[%swap3A_496] {strides = array<i32>} : memref<2048xf32, #tpu.memory_space<vmem>>, vector<16xf32>,
    %swap3A_498 = vector.shape_cast %swap3A_497 : vector<16xf32> to vector<16xf32>
    %swap3A_499 = vector.shape_cast %gather3A_4 : vector<16xf32> to vector<16xf32>
    tpu.vector_store %arg5[%swap3A_496], %swap3A_499 {strides = array<i32>} : memref<2048xf32, #tpu.memory_space<vmem>>, vector<16xf32>,
    %swap3A_500 = arith.constant 1984 : index
    %swap3A_501 = tpu.vector_load %arg5[%swap3A_500] {strides = array<i32>} : memref<2048xf32, #tpu.memory_space<vmem>>, vector<16xf32>,
    %swap3A_502 = vector.shape_cast %swap3A_501 : vector<16xf32> to vector<16xf32>
    %swap3A_503 = vector.shape_cast %gather3A_4 : vector<16xf32> to vector<16xf32>
    tpu.vector_store %arg5[%swap3A_500], %swap3A_503 {strides = array<i32>} : memref<2048xf32, #tpu.memory_space<vmem>>, vector<16xf32>,
    %swap3A_504 = arith.constant 2000 : index
    %swap3A_505 = tpu.vector_load %arg5[%swap3A_504] {strides = array<i32>} : memref<2048xf32, #tpu.memory_space<vmem>>, vector<16xf32>,
    %swap3A_506 = vector.shape_cast %swap3A_505 : vector<16xf32> to vector<16xf32>
    %swap3A_507 = vector.shape_cast %gather3A_4 : vector<16xf32> to vector<16xf32>
    tpu.vector_store %arg5[%swap3A_504], %swap3A_507 {strides = array<i32>} : memref<2048xf32, #tpu.memory_space<vmem>>, vector<16xf32>,
    %swap3A_508 = arith.constant 2016 : index
    %swap3A_509 = tpu.vector_load %arg5[%swap3A_508] {strides = array<i32>} : memref<2048xf32, #tpu.memory_space<vmem>>, vector<16xf32>,
    %swap3A_510 = vector.shape_cast %swap3A_509 : vector<16xf32> to vector<16xf32>
    %swap3A_511 = vector.shape_cast %gather3A_4 : vector<16xf32> to vector<16xf32>
    tpu.vector_store %arg5[%swap3A_508], %swap3A_511 {strides = array<i32>} : memref<2048xf32, #tpu.memory_space<vmem>>, vector<16xf32>,
    %swap3A_512 = arith.constant 2032 : index
    %swap3A_513 = tpu.vector_load %arg5[%swap3A_512] {strides = array<i32>} : memref<2048xf32, #tpu.memory_space<vmem>>, vector<16xf32>,
    %swap3A_514 = vector.shape_cast %swap3A_513 : vector<16xf32> to vector<16xf32>
    %swap3A_515 = vector.shape_cast %gather3A_4 : vector<16xf32> to vector<16xf32>
    tpu.vector_store %arg5[%swap3A_512], %swap3A_515 {strides = array<i32>} : memref<2048xf32, #tpu.memory_space<vmem>>, vector<16xf32>,
    %mul3A_516 = arith.constant 2048 : i32
    %mul3A_517 = arith.muli %add3A, %mul3A_516 : i32
    "tpu.region"() ({
      %run_scoped3A = tpu.sem_alloc : memref<!tpu.dma_semaphore, #tpu.memory_space<semaphore_mem>>
      %dma_start3A = tpu.memref_slice %arg3[%mul3A_517] : memref<32768xf32, #tpu.memory_space<hbm>> -> memref<2048xf32, #tpu.memory_space<hbm>>
      %dma_start3A_518 = tpu.memref_slice %arg3[%mul3A_517] : memref<32768xf32, #tpu.memory_space<hbm>> -> memref<2048xf32, #tpu.memory_space<hbm>>
      tpu.enqueue_dma source(%arg5 : memref<2048xf32, #tpu.memory_space<vmem>>) target(%dma_start3A_518 : memref<2048xf32, #tpu.memory_space<hbm>>) target_semaphore(%run_scoped3A : memref<!tpu.dma_semaphore, #tpu.memory_space<semaphore_mem>>)
      %dma_wait3A = tpu.memref_slice %arg3[%mul3A_517] : memref<32768xf32, #tpu.memory_space<hbm>> -> memref<2048xf32, #tpu.memory_space<hbm>>
      %dma_wait3A_519 = tpu.memref_slice %arg3[%mul3A_517] : memref<32768xf32, #tpu.memory_space<hbm>> -> memref<2048xf32, #tpu.memory_space<hbm>>
      tpu.wait_dma2 semaphore(%run_scoped3A : memref<!tpu.dma_semaphore, #tpu.memory_space<semaphore_mem>>) src(%arg5 : memref<2048xf32, #tpu.memory_space<vmem>>) dst(%dma_wait3A_519 : memref<2048xf32, #tpu.memory_space<hbm>>)
      tpu.yield
    }) : () -> ()
    return
  }
}

</mosaic_0001>

<sc_bundles>
// kernel: kernel.3.cloned.1.call-start
scs
__scs_entry_jumppad:
0x0: {  	(pc) =	sbr.rel $0x88, $3  }
0x1: {  	(tag) =	ssettag $0x0;
	lr =	simm.s32 $0x1  }
0x2: {  	[smem:$0x3FA0] =	sst lr;
	_ =	strace $0xD0000000  }
0x3: {  	_ = 	snop  }
0x4: {  	_ = 	snop  }
0x5: {  	_ = 	snop  }
0x6: {  	_ = 	snop  }
0x7: {  	_ = 	snop  }
__scs_overlays_trampoline_lowered:
0x8: {  	[smem:$0x3FAF] =	sst s0  }
0x9: {  	[smem:$0x3FB0] =	sst s1  }
0xa: {  	[smem:$0x3FB1] =	sst s2  }
0xb: {  	[smem:$0x3FB2] =	sst s3  }
0xc: {  	[smem:$0x3FB3] =	sst s4  }
0xd: {  	[smem:$0x3FB4] =	sst s5  }
0xe: {  	[smem:$0x3FB5] =	sst s6  }
0xf: {  	[smem:$0x3FB6] =	sst s7  }
0x10: {  	[smem:$0x3FB7] =	sst s8  }
0x11: {  	[smem:$0x3FB8] =	sst s9;
	s0 =	simm.s32 @!p0 $0x0  }
0x12: {  	s1 =	sld [smem:$0x3F9E];
	s0 =	simm.s32 @p0 $0x1  }
0x13: {  	[smem:$0x3FB9] =	sst s0;
	s0 =	simm.s32 @!p1 $0x0  }
0x14: {  	s2 =	sld [smem:$0x3F9D];
	s0 =	simm.s32 @p1 $0x1  }
0x15: {  	[smem:$0x3FBA] =	sst s0;
	s0 =	simm.s32 @!p2 $0x0  }
0x16: {  	s3 =	sld [smem:$0x3FDB];
	s0 =	simm.s32 @p2 $0x1  }
0x17: {  	s4 =	simm.s32 $0x1BF5;
	[smem:$0x3FBC] =	sst s0  }
0x18: {  	s0 =	sld [smem:$0x3F9F];
	_ =	swait.ge [sflag:s4], $0x0  }
0x19: {  	s7 =	sld [smem:$0x3FA0]  }
0x1a: {  	s8 =	sadd.s32 $0xFFFFE003, lr  }
0x1b: {  	s9 =	sadd.s32 $0xFFFFFEF7, lr;
	s5 =	simm.s32 $0xFFFFFFFF;
	p2 =	slt.u32 s8, $0xFFFFF086  }
0x1c: {  	p1 =	slt.u32 s9, $0xF7A;
	s5 =	simm.s32 @!p2 $0x0  }
0x1d: {  	s5 =	simm.s32 @p1 $0x1;
	p0 =	seq.s32 s7, s2  }
0x1e: {  	s7 =	smul.u32 @!p0 $0xF7A, s2;
	p2 =	seq.s32 @!p0 s5, $0x0  }
0x1f: {  	s9 =	smul.u32 $0xF7A, s1;
	s8 =	simm.s32 @!p0 $0x1BF5;
	p2 =	por !p2, p0  }
0x20: {  	[sflag:s8] =	ssyncset.s32 @!p0 $0xFFFFF086;
	s6 =	sadd.s32 @!p0 s3, s7;
	s7 =	simm.s32 @!p0 $0x108  }
0x21: {  	s3 =	sadd.s32 s3, s9;
	s6 =	sadd.s32 @!p0 $0x88, s6;
	s7 =	simm.s32 @p2 $0x1082  }
0x22: {  	[simem:s7], [sflag:s8] =	dma.local @!p0 [hbm:s6], $0xF7A  }
0x23: {  	s9 =	sor.u32 $0xD0000000, s2;
	s6 =	simm.s32 $0x108;
	_ =	swait.ge @!p0 [sflag:s8], $0x0  }
0x24: {  	s3 =	sadd.s32 $0x88, s3;
	s6 =	simm.s32 @!p1 $0x1082;
	[sflag:s4] =	ssyncset.s32 $0xFFFFF086  }
0x25: {  	[simem:s6], [sflag:s4] =	dma.local [hbm:s3], $0xF7A  }
0x26: {  	[smem:$0x3FA0] =	sst s1;
	(tag) =	ssettag s2;
	_ =	strace s9  }
0x27: {  	s1 =	sld [smem:$0x3FB0]  }
0x28: {  	s2 =	sld [smem:$0x3FB1]  }
0x29: {  	s4 =	sld [smem:$0x3FB3]  }
0x2a: {  	p0 =	seq.s32 s5, $0x0;
	s5 =	sld [smem:$0x3FB4]  }
0x2b: {  	s6 =	sld [smem:$0x3FB5]  }
0x2c: {  	s7 =	sld [smem:$0x3FB6]  }
0x2d: {  	s3 =	simm.s32 $0x108;
	s8 =	sld [smem:$0x3FB7]  }
0x2e: {  	s3 =	simm.s32 @!p0 $0x1082;
	s9 =	sld [smem:$0x3FB8]  }
0x2f: {  	lr =	sadd.s32 s0, s3;
	s0 =	sld [smem:$0x3FAF]  }
0x30: {  	s3 =	sld [smem:$0x3FB2]  }
0x31: {  	[smem:$0x3FBB] =	sst s10  }
0x32: {  	s10 =	sld [smem:$0x3FB9];
	_ =	sdelay $0x3  }
0x33: {  	p0 =	seq.s32 s10, $0x1;
	s10 =	sld [smem:$0x3FBB];
	_ =	sdelay $0x3  }
0x34: {  	[smem:$0x3FBB] =	sst s10  }
0x35: {  	s10 =	sld [smem:$0x3FBA];
	_ =	sdelay $0x3  }
0x36: {  	p1 =	seq.s32 s10, $0x1;
	s10 =	sld [smem:$0x3FBB];
	_ =	sdelay $0x3  }
0x37: {  	[smem:$0x3FBB] =	sst s10  }
0x38: {  	s10 =	sld [smem:$0x3FBC]  }
0x39: {  	_ = 	snop;
	(pc) =	sbr.ind lr, $3  }
0x3a: {  	_ = 	snop  }
0x3b: {  	_ = 	snop  }
0x3c: {  	p2 =	seq.s32 s10, $0x1;
	s10 =	sld [smem:$0x3FBB]  }
0x3d: {  	_ =	shalt  }
0x3e: {  	_ =	shalt  }
0x3f: {  	_ =	shalt  }
0x40: {  	_ =	shalt  }
0x41: {  	_ =	shalt  }
0x42: {  	_ =	shalt  }
0x43: {  	_ =	shalt  }
0x44: {  	_ =	shalt  }
0x45: {  	_ =	shalt  }
0x46: {  	_ =	shalt  }
0x47: {  	_ =	shalt  }
0x48: {  	_ =	shalt  }
0x49: {  	_ =	shalt  }
0x4a: {  	_ =	shalt  }
0x4b: {  	_ =	shalt  }
0x4c: {  	_ =	shalt  }
0x4d: {  	_ =	shalt  }
0x4e: {  	_ =	shalt  }
0x4f: {  	_ =	shalt  }
0x50: {  	_ =	shalt  }
0x51: {  	_ =	shalt  }
0x52: {  	_ =	shalt  }
0x53: {  	_ =	shalt  }
0x54: {  	_ =	shalt  }
0x55: {  	_ =	shalt  }
0x56: {  	_ =	shalt  }
0x57: {  	_ =	shalt  }
0x58: {  	_ =	shalt  }
0x59: {  	_ =	shalt  }
0x5a: {  	_ =	shalt  }
0x5b: {  	_ =	shalt  }
0x5c: {  	_ =	shalt  }
0x5d: {  	_ =	shalt  }
0x5e: {  	_ =	shalt  }
0x5f: {  	_ =	shalt  }
0x60: {  	_ =	shalt  }
0x61: {  	_ =	shalt  }
0x62: {  	_ =	shalt  }
0x63: {  	_ =	shalt  }
0x64: {  	_ =	shalt  }
0x65: {  	_ =	shalt  }
0x66: {  	_ =	shalt  }
0x67: {  	_ =	shalt  }
0x68: {  	_ =	shalt  }
0x69: {  	_ =	shalt  }
0x6a: {  	_ =	shalt  }
0x6b: {  	_ =	shalt  }
0x6c: {  	_ =	shalt  }
0x6d: {  	_ =	shalt  }
0x6e: {  	_ =	shalt  }
0x6f: {  	_ =	shalt  }
0x70: {  	_ =	shalt  }
0x71: {  	_ =	shalt  }
0x72: {  	_ =	shalt  }
0x73: {  	_ =	shalt  }
0x74: {  	_ =	shalt  }
0x75: {  	_ =	shalt  }
0x76: {  	_ =	shalt  }
0x77: {  	_ =	shalt  }
0x78: {  	_ =	shalt  }
0x79: {  	_ =	shalt  }
0x7a: {  	_ =	shalt  }
0x7b: {  	_ =	shalt  }
0x7c: {  	_ =	shalt  }
0x7d: {  	_ =	shalt  }
0x7e: {  	_ =	shalt  }
0x7f: {  	_ =	shalt  }
0x80: {  	_ =	shalt  }
0x81: {  	_ =	shalt  }
0x82: {  	_ =	shalt  }
0x83: {  	_ =	shalt  }
0x84: {  	_ =	shalt  }
0x85: {  	_ =	shalt  }
0x86: {  	_ =	shalt  }
0x87: {  	_ =	shalt  }
.Lfunc_end0:
.L_simem_size_0:
called_computation_lowered:
.L_overlay_start_0:
0x88: {  	s0 =	sld [smem:$0x3FD9]  }
0x89: {  	s1 =	sld [smem:$0x3FFE];
	_ =	sdelay $0x3  }
0x8a: {  	s0 =	sadd.s32 s1, s0  }
0x8b: {  	[smem:$0x3FC7] =	sst s0  }
0x8c: {  	_ = 	snop  }
0x8d: {  	s0 =	sld [smem:$0x3FC9]  }
0x8e: {  	s17 =	sld [smem:$0x3FD0];
	(tm) =	ssettm $0x1  }
0x8f: {  	s2 =	sld [smem:$0x3FFB];
	_ =	sdelay $0x3  }
0x90: {  	_ =	strace s2  }
0x91: {  	s2 =	sld [smem:$0x3FFC];
	_ =	sdelay $0x3  }
0x92: {  	_ =	strace s2  }
0x93: {  	s2 =	sld [smem:$0x3FFD];
	_ =	sdelay $0x3  }
0x94: {  	_ =	strace s2  }
0x95: {  	_ =	strace $0x8FFFFFFF  }
0x96: {  	s18 =	sld [smem:$0x3FDB];
	_ =	sdelay $0x1  }
0x97: {  	s3 =	simm.s32 $_scs_section_size  }
0x98: {  	s4 =	simm.s32 $_size__tile_overlayer_lowered;
	s5 =	simm.s32 $_tile_overlayer_lowered  }
0x99: {  	s21 =	simm.s32 $0x1BFF;
	s20 =	sshll.u32 s5, $0x1;
	s2 =	sadd.s32 s3, s18  }
0x9a: {  	s6 =	simm.s32 $0x0;
	s19 =	sshll.u32 s4, $0x1;
	s4 =	sadd.s32 s20, s2  }
0x9b: {  	[timem:s6], [sflag:s21] =	dma.local [hbm:s4], s19  }
0x9c: {  	_ =	swait.ge [sflag:s21], s19  }
0x9d: {  	s3 =	ssub.s32 $0x0, s19;
	[sflag:s21] =	ssyncset.done $0x0  }
0x9e: {  	[sflag:s21] =	ssyncadd.s32 s3;
	_ =	sdelay $0x1  }
0x9f: {  	s22 =	simm.s32 $0x1B8B  }
0xa0: {  	_ =	swait.ge [sflag:s22], $0x1  }
0xa1: {  	[sflag:s22] =	ssyncset.done $0x0  }
0xa2: {  	s23 =	simm.s32 $0x1B8E;
	[sflag:s22] =	ssyncadd.s32 $0xFFFFFFFF  }
0xa3: {  	s24 =	simm.s32 $execute0_lowered;
	[smem:$0x3FD2] =	sst s23  }
0xa4: {  	s3 =	sshll.u32 s24, $0x1;
	_ =	strace $0x80000046;
	[dreg:$0x1] =	wrdreg $0xFFFFFFFF  }
0xa5: {  	s25 =	simm.s32 $_size_execute0_lowered;
	s2 =	sadd.s32 s2, s3;
	[dreg:$0x0] =	wrdreg $0x0  }
0xa6: {  	s3 =	sshll.u32 s25, $0x1;
	[dreg:$0x2] =	wrdreg s2  }
0xa7: {  	[dreg:$0x3] =	wrdreg s3  }
0xa8: {  	[dreg:$0x4] =	wrdreg $0xC0  }
0xa9: {  	_ =	task [dreg:s6], $0x5FFFF  }
0xaa: {  	[dreg:$0x1] =	wrdreg $0xFFFFFFFF  }
0xab: {  	[dreg:$0x0] =	wrdreg $0x60  }
0xac: {  	[dreg:$0x2] =	wrdreg s0  }
0xad: {  	[dreg:$0x3] =	wrdreg s17  }
0xae: {  	[dreg:$0x4] =	wrdreg $0x9  }
0xaf: {  	_ =	task.clear_ibuf [dreg:s6], $0x5FFFF;
	_ =	strace $0x90000046  }
0xb0: {  	s26 =	simm.s32 $0x9;
	_ =	strace $0x80000048  }
0xb1: {  	_ =	swait.ge [sflag:s26], $0x1  }
0xb2: {  	[sflag:s26] =	ssyncadd.s32 $0xFFFFFFFF  }
0xb3: {  	_ =	strace $0x90000048  }
0xb4: {  	_ =	sfence  }
0xb5: {  	s28 =	sld [smem:$0x0];
	_ =	sdelay $0x1  }
0xb6: {  	s29 =	srdreg.scid  }
0xb7: {  	s30 =	sshll.u32 s29, $0xD;
	s31 =	sshrl.u32 s29, $0x2  }
0xb8: {  	s1 =	sand.u32 $0x1, s29;
	s2 =	sand.u32 $0x4000, s30;
	s0 =	sadd.s32 s31, s28  }
0xb9: {  	s1 =	sor.u32 s2, s1;
	s0 =	sshll.u32 s0, $0x11  }
0xba: {  	s0 =	sor.u32 s0, s1  }
0xbb: {  	s0 =	sadd.s32 $0x8F2B, s0  }
0xbc: {  	[sflag:s0] =	ssyncadd.remote.s32 $0x1  }
0xbd: {  	_ =	sfence.sel $0xFFFF  }
0xbe: {  	[dreg:$0x0] =	wrdreg $0xFFFFFFFF;
	(pc) =	sbr.abs _section_cstart, $3  }
0xbf: {  	[dreg:$0x1] =	wrdreg $0xFFFFFFFF  }
0xc0: {  	_ =	task.clear_ibuf [dreg:s6], $0x2FFFF;
	_ =	strace $0x9FFFFFFF  }
0xc1: {  	(tm) =	ssettm $0x7FFFFFFF  }
tec
execute0_lowered:
.L_overlay_start_1:
0x0: {  	(tag) =	ssettag $0x1  }
0x1: {  	s3 =	rddreg [dreg:$0x0]  }
0x2: {  	s2 =	rddreg [dreg:$0x1];
	s1 =	simm.s32 $0x0  }
0x3: {  	[smem:$0x7FF] =	sst s1  }
0x4: {  	s0 =	rddreg [dreg:$0x2];
	s30 =	simm.s32 $0x1;
	_ =	strace $0x80000047  }
0x5: {  	[tilespmem:s1], [sflag:$0x1] =	stream.linear.gather [hbm4b:s3+s1], $0x1, $0x38;
	[tilespmem:$0x880] =	vst v63  }
0x6: {  	_ =	swait.ge [sflag:s30], $0x1  }
0x7: {  	[sflag:s30] =	ssyncset.done $0x0  }
0x8: {  	[sflag:s30] =	ssyncadd.s32 $0xFFFFFFFF  }
0x9: {  	v0 =	vld [tilespmem:$0x0];
	_ =	sdelay $0x3  }
0xa: {  	v1 =	vimm.s32 $0x0  }
0xb: {  	v0 =	vperm.xlane v0, v1;
	_ =	sdelay $0x1  }
0xc: {  	[tilespmem:$0x80] =	vst v0  }
0xd: {  	[tilespmem:$0x90] =	vst v0  }
0xe: {  	[tilespmem:$0xA0] =	vst v0  }
0xf: {  	[tilespmem:$0xB0] =	vst v0  }
0x10: {  	[tilespmem:$0xC0] =	vst v0  }
0x11: {  	[tilespmem:$0xD0] =	vst v0  }
0x12: {  	[tilespmem:$0xE0] =	vst v0  }
0x13: {  	[tilespmem:$0xF0] =	vst v0  }
0x14: {  	[tilespmem:$0x100] =	vst v0  }
0x15: {  	[tilespmem:$0x110] =	vst v0  }
0x16: {  	[tilespmem:$0x120] =	vst v0  }
0x17: {  	[tilespmem:$0x130] =	vst v0  }
0x18: {  	[tilespmem:$0x140] =	vst v0  }
0x19: {  	[tilespmem:$0x150] =	vst v0  }
0x1a: {  	[tilespmem:$0x160] =	vst v0  }
0x1b: {  	[tilespmem:$0x170] =	vst v0  }
0x1c: {  	[tilespmem:$0x180] =	vst v0  }
0x1d: {  	[tilespmem:$0x190] =	vst v0  }
0x1e: {  	[tilespmem:$0x1A0] =	vst v0  }
0x1f: {  	[tilespmem:$0x1B0] =	vst v0  }
0x20: {  	[tilespmem:$0x1C0] =	vst v0  }
0x21: {  	[tilespmem:$0x1D0] =	vst v0  }
0x22: {  	[tilespmem:$0x1E0] =	vst v0  }
0x23: {  	[tilespmem:$0x1F0] =	vst v0  }
0x24: {  	[tilespmem:$0x200] =	vst v0  }
0x25: {  	[tilespmem:$0x210] =	vst v0  }
0x26: {  	[tilespmem:$0x220] =	vst v0  }
0x27: {  	[tilespmem:$0x230] =	vst v0  }
0x28: {  	[tilespmem:$0x240] =	vst v0  }
0x29: {  	[tilespmem:$0x250] =	vst v0  }
0x2a: {  	[tilespmem:$0x260] =	vst v0  }
0x2b: {  	[tilespmem:$0x270] =	vst v0  }
0x2c: {  	[tilespmem:$0x280] =	vst v0  }
0x2d: {  	[tilespmem:$0x290] =	vst v0  }
0x2e: {  	[tilespmem:$0x2A0] =	vst v0  }
0x2f: {  	[tilespmem:$0x2B0] =	vst v0  }
0x30: {  	[tilespmem:$0x2C0] =	vst v0  }
0x31: {  	[tilespmem:$0x2D0] =	vst v0  }
0x32: {  	[tilespmem:$0x2E0] =	vst v0  }
0x33: {  	[tilespmem:$0x2F0] =	vst v0  }
0x34: {  	[tilespmem:$0x300] =	vst v0  }
0x35: {  	[tilespmem:$0x310] =	vst v0  }
0x36: {  	[tilespmem:$0x320] =	vst v0  }
0x37: {  	[tilespmem:$0x330] =	vst v0  }
0x38: {  	[tilespmem:$0x340] =	vst v0  }
0x39: {  	[tilespmem:$0x350] =	vst v0  }
0x3a: {  	[tilespmem:$0x360] =	vst v0  }
0x3b: {  	[tilespmem:$0x370] =	vst v0  }
0x3c: {  	[tilespmem:$0x380] =	vst v0  }
0x3d: {  	[tilespmem:$0x390] =	vst v0  }
0x3e: {  	[tilespmem:$0x3A0] =	vst v0  }
0x3f: {  	[tilespmem:$0x3B0] =	vst v0  }
0x40: {  	[tilespmem:$0x3C0] =	vst v0  }
0x41: {  	[tilespmem:$0x3D0] =	vst v0  }
0x42: {  	[tilespmem:$0x3E0] =	vst v0  }
0x43: {  	[tilespmem:$0x3F0] =	vst v0  }
0x44: {  	[tilespmem:$0x400] =	vst v0  }
0x45: {  	[tilespmem:$0x410] =	vst v0  }
0x46: {  	[tilespmem:$0x420] =	vst v0  }
0x47: {  	[tilespmem:$0x430] =	vst v0  }
0x48: {  	[tilespmem:$0x440] =	vst v0  }
0x49: {  	[tilespmem:$0x450] =	vst v0  }
0x4a: {  	[tilespmem:$0x460] =	vst v0  }
0x4b: {  	[tilespmem:$0x470] =	vst v0  }
0x4c: {  	[tilespmem:$0x480] =	vst v0  }
0x4d: {  	[tilespmem:$0x490] =	vst v0  }
0x4e: {  	[tilespmem:$0x4A0] =	vst v0  }
0x4f: {  	[tilespmem:$0x4B0] =	vst v0  }
0x50: {  	[tilespmem:$0x4C0] =	vst v0  }
0x51: {  	[tilespmem:$0x4D0] =	vst v0  }
0x52: {  	[tilespmem:$0x4E0] =	vst v0  }
0x53: {  	[tilespmem:$0x4F0] =	vst v0  }
0x54: {  	[tilespmem:$0x500] =	vst v0  }
0x55: {  	[tilespmem:$0x510] =	vst v0  }
0x56: {  	[tilespmem:$0x520] =	vst v0  }
0x57: {  	[tilespmem:$0x530] =	vst v0  }
0x58: {  	[tilespmem:$0x540] =	vst v0  }
0x59: {  	[tilespmem:$0x550] =	vst v0  }
0x5a: {  	[tilespmem:$0x560] =	vst v0  }
0x5b: {  	[tilespmem:$0x570] =	vst v0  }
0x5c: {  	[tilespmem:$0x580] =	vst v0  }
0x5d: {  	[tilespmem:$0x590] =	vst v0  }
0x5e: {  	[tilespmem:$0x5A0] =	vst v0  }
0x5f: {  	[tilespmem:$0x5B0] =	vst v0  }
0x60: {  	[tilespmem:$0x5C0] =	vst v0  }
0x61: {  	[tilespmem:$0x5D0] =	vst v0  }
0x62: {  	[tilespmem:$0x5E0] =	vst v0  }
0x63: {  	[tilespmem:$0x5F0] =	vst v0  }
0x64: {  	[tilespmem:$0x600] =	vst v0  }
0x65: {  	[tilespmem:$0x610] =	vst v0  }
0x66: {  	[tilespmem:$0x620] =	vst v0  }
0x67: {  	[tilespmem:$0x630] =	vst v0  }
0x68: {  	[tilespmem:$0x640] =	vst v0  }
0x69: {  	[tilespmem:$0x650] =	vst v0  }
0x6a: {  	[tilespmem:$0x660] =	vst v0  }
0x6b: {  	[tilespmem:$0x670] =	vst v0  }
0x6c: {  	[tilespmem:$0x680] =	vst v0  }
0x6d: {  	[tilespmem:$0x690] =	vst v0  }
0x6e: {  	[tilespmem:$0x6A0] =	vst v0  }
0x6f: {  	[tilespmem:$0x6B0] =	vst v0  }
0x70: {  	[tilespmem:$0x6C0] =	vst v0  }
0x71: {  	[tilespmem:$0x6D0] =	vst v0  }
0x72: {  	[tilespmem:$0x6E0] =	vst v0  }
0x73: {  	[tilespmem:$0x6F0] =	vst v0  }
0x74: {  	[tilespmem:$0x700] =	vst v0  }
0x75: {  	[tilespmem:$0x710] =	vst v0  }
0x76: {  	[tilespmem:$0x720] =	vst v0  }
0x77: {  	[tilespmem:$0x730] =	vst v0  }
0x78: {  	[tilespmem:$0x740] =	vst v0  }
0x79: {  	[tilespmem:$0x750] =	vst v0  }
0x7a: {  	[tilespmem:$0x760] =	vst v0  }
0x7b: {  	[tilespmem:$0x770] =	vst v0  }
0x7c: {  	[tilespmem:$0x780] =	vst v0  }
0x7d: {  	[tilespmem:$0x790] =	vst v0  }
0x7e: {  	[tilespmem:$0x7A0] =	vst v0  }
0x7f: {  	[tilespmem:$0x7B0] =	vst v0  }
0x80: {  	[tilespmem:$0x7C0] =	vst v0  }
0x81: {  	[tilespmem:$0x7D0] =	vst v0  }
0x82: {  	[tilespmem:$0x7E0] =	vst v0  }
0x83: {  	[tilespmem:$0x7F0] =	vst v0  }
0x84: {  	[tilespmem:$0x800] =	vst v0  }
0x85: {  	[tilespmem:$0x810] =	vst v0  }
0x86: {  	[tilespmem:$0x820] =	vst v0  }
0x87: {  	[tilespmem:$0x830] =	vst v0  }
0x88: {  	[tilespmem:$0x840] =	vst v0  }
0x89: {  	s4 =	stileid.u32;
	[tilespmem:$0x850] =	vst v0  }
0x8a: {  	s5 =	sshll.u32 s4, $0x8;
	[tilespmem:$0x860] =	vst v0  }
0x8b: {  	s31 =	simm.s32 $0x80;
	s2 =	sadd.s32 s2, s5;
	[tilespmem:$0x870] =	vst v0  }
0x8c: {  	[hbm4b:s2+s1] =	stream.linear.scatter [tilespmem:s31], [sflag:$0x1], $0x800, $0x38;
	[tilespmem:$0x880] =	vst v63  }
0x8d: {  	_ =	swait.ge [sflag:s30], $0x800  }
0x8e: {  	[sflag:s30] =	ssyncset.done $0x0  }
0x8f: {  	[sflag:s30] =	ssyncadd.s32 $0xFFFFF800  }
0x90: {  	_ =	sfence.sel $0x180000  }
0x91: {  	[bflag:$0x0] =	sbarrier.arrive $0xFFFF  }
0x92: {  	p0 =	sne.s32 s4, $0x0;
	_ =	strace $0x90000047  }
0x93: {  	s0 =	sadd.s32 @!p0 $0x100000, s0;
	[bflag:$0x2] =	sbarrier.arrive $0xFFFF  }
0x94: {  	[sflag:s0] =	ssyncadd.tile.s32 @!p0 $0x1;
	_ =	shalt  }
.Lfunc_end2:
_tile_overlayer_lowered:
.L_overlay_start_2:
0x95: {  	(tag) =	ssettag $0x2  }
0x96: {  	s0 =	rddreg [dreg:$0x0];
	s2 =	stileid.u32  }
0x97: {  	s1 =	rddreg [dreg:$0x1];
	p0 =	sne.s32 s2, $0x0  }
0x98: {  	s3 =	rddreg [dreg:$0x2];
	[bflag:$0x3] =	sbarrier.arrive $0xFFFF;
	s2 =	simm.s32 @!p0 $0x1C01  }
0x99: {  	[timem:s3], [sflag:s2] =	dma.local @!p0 [hbm:s0], s1  }
0x9a: {  	s0 =	simm.s32 @!p0 $0x1  }
0x9b: {  	_ =	swait.ge @!p0 [sflag:s0], s1  }
0x9c: {  	s1 =	ssub.s32 @!p0 $0x0, s1;
	[sflag:s0] =	ssyncset.done @!p0 $0x0  }
0x9d: {  	[sflag:s0] =	ssyncadd.s32 @!p0 s1  }
0x9e: {  	[bflag:$0x3] =	sbarrier.arrive $0xFFFF  }
0x9f: {  	_ =	shalt  }

</sc_bundles>
